<compile_context>
chip_gen: v7x
topology: tpu7x:2x2x1
jax: 0.10.2.dev20260603
libtpu: 0.0.44.dev20260713+nightly
codegen_flags: <defaults>
</compile_context>

<pallas_src>
import functools

import jax
import jax.numpy as jnp
from jax import lax
from jax.experimental import pallas as pl
from jax.experimental.pallas import tpu as pltpu
from jax.experimental.pallas import tpu_sc as plsc

_N_STIMULI = 20
_N_DIM = 3
_N_REF = 8
_BATCH = 16384
_BETA = 10.0
_GAMMA = 0.001

_ROWS = _N_STIMULI + 1
_SSTRIDE = 32

_NC = 2
_NS = 16
_NW = _NC * _NS
_BPW = _BATCH // _NW
_L = 16
_GROUPS = _BPW // _L
_NCOL = 1 + _N_REF


def _vexp(x):
    x = jnp.maximum(x, -60.0)
    t = x * 1.4426950408889634
    ki = t.astype(jnp.int32)
    ki = ki - jnp.where(t < ki.astype(jnp.float32), 1, 0)
    g = (t - ki.astype(jnp.float32)) * 0.6931471805599453
    p = jnp.float32(1.0 / 720.0)
    for c in (1.0 / 120.0, 1.0 / 24.0, 1.0 / 6.0, 0.5, 1.0, 1.0):
        p = p * g + c
    scale = plsc.bitcast(lax.shift_left(ki + 127, 23), jnp.float32)
    return scale * p


def _vsqrt(x):
    y = plsc.bitcast(
        lax.shift_right_logical(plsc.bitcast(x, jnp.int32), 1) + 0x1FBD1DF5,
        jnp.float32,
    )
    y = 0.5 * (y + x / y)
    y = 0.5 * (y + x / y)
    return y


_sc_mesh = plsc.VectorSubcoreMesh(
    core_axis_name="c", subcore_axis_name="s", num_cores=_NC, num_subcores=_NS
)


@functools.partial(
    pl.kernel,
    mesh=_sc_mesh,
    compiler_params=pltpu.CompilerParams(
        needs_layout_passes=False,
        disable_bounds_checks=True,
        disable_semaphore_checks=True,
        skip_device_barrier=True,
    ),
    out_type=jax.ShapeDtypeStruct((_BATCH,), jnp.float32),
    scratch_types=[
        pltpu.VMEM((_BPW * _NCOL,), jnp.int32),
        pltpu.VMEM((2 * _L * _N_DIM,), jnp.float32),
        pltpu.VMEM((_ROWS * _SSTRIDE,), jnp.float32),
        pltpu.VMEM((_BPW,), jnp.float32),
        pltpu.SemaphoreType.DMA,
    ],
)
def _rank_sc(stim_hbm, tbl_hbm, out_hbm, stim_v, t_v, s_v, out_v, sem):
    wid = lax.axis_index("s") * _NC + lax.axis_index("c")
    base = wid * _BPW
    lanes = lax.iota(jnp.int32, _L)

    stim_dma = pltpu.async_copy(
        stim_hbm.at[pl.ds(base * _NCOL, _BPW * _NCOL)], stim_v, sem
    )
    pltpu.sync_copy(tbl_hbm, t_v.at[pl.ds(0, _ROWS * _N_DIM)])

    tcoord = [
        [plsc.load_gather(t_v, [(lanes + g * _L) * _N_DIM + d]) for g in range(2)]
        for d in range(_N_DIM)
    ]

    @plsc.parallel_loop(0, _ROWS, unroll=3)
    def _table(i):
        in_g0 = i < _L
        sel = jnp.broadcast_to(jnp.where(in_g0, i, i - _L), (_L,))
        ti = [
            jnp.where(
                in_g0,
                jnp.take_along_axis(
                    tcoord[d][0], sel, axis=0, mode="promise_in_bounds"
                ),
                jnp.take_along_axis(
                    tcoord[d][1], sel, axis=0, mode="promise_in_bounds"
                ),
            )
            for d in range(_N_DIM)
        ]
        for g in range(2):
            d2 = jnp.zeros((_L,), jnp.float32)
            for d in range(_N_DIM):
                diff = ti[d] - tcoord[d][g]
                d2 = d2 + diff * diff
            s = _vexp(-_BETA * _vsqrt(d2 + 1e-12)) + _GAMMA
            if g == 0:
                s = jnp.where(lanes == 0, 0.0, s)
            s_v[pl.ds(i * _SSTRIDE + g * _L, _L)] = s

    stim_dma.wait()

    @plsc.parallel_loop(0, _GROUPS, unroll=2)
    def _rank(i):
        rowbase = (lanes + (i * _L)) * _NCOL
        q = plsc.load_gather(stim_v, [rowbase])
        q_off = q * _SSTRIDE
        sk = []
        for k in range(_N_REF):
            r = plsc.load_gather(stim_v, [rowbase + (k + 1)])
            sk.append(plsc.load_gather(s_v, [q_off + r]))
        total = sk[0]
        for k in range(1, _N_REF):
            total = total + sk[k]
        p0 = sk[0] / jnp.maximum(total, 1e-30)
        p1 = sk[1] / jnp.maximum(total - sk[0], 1e-30)
        out_v[pl.ds(i * _L, _L)] = p0 * p1

    pltpu.sync_copy(out_v, out_hbm.at[pl.ds(base, _BPW)])


def kernel(stimulus_set, percept_table):
    return _rank_sc(
        stimulus_set.reshape(_BATCH * _NCOL),
        percept_table.reshape(_ROWS * _N_DIM),
    )

# --- scband reference (transcript-rebuilt; emitter-appended) ---
"""Pipeline reference for scband-rank-model-f-38869454029485 (READ-ONLY COPY).

The authoritative reference and input builder live on the scoring server;
editing this copy changes nothing except your own understanding.
"""

import jax, jax.numpy as jnp
import numpy as np

N_STIMULI = 20
N_DIM = 3
N_REFERENCE = 8
N_SELECT = 2
BATCH = 16384
RHO = 2.0
BETA = 10.0
TAU = 1.0
GAMMA = 0.001


def setup_inputs(seed: int = 0) -> dict:
    key = jax.random.key(seed)
    k1, k2 = jax.random.split(key)
    # column 0 = query stimulus, columns 1..8 = reference stimuli; index 0 is the mask token
    stimulus_set = jax.random.randint(k1, (BATCH, 1 + N_REFERENCE), 0, N_STIMULI + 1, dtype=jnp.int32)
    # learned percept embedding table (n_stimuli + 1 rows, mask_zero row included)
    percept_table = jax.random.normal(k2, (N_STIMULI + 1, N_DIM), dtype=jnp.float32)
    return {"stimulus_set": stimulus_set, "percept_table": percept_table}


def reference(stimulus_set, percept_table):
    # Embedding lookup (tf.keras.layers.Embedding with mask_zero=True)
    z = jnp.take(percept_table, stimulus_set, axis=0)  # [B, 9, n_dim]
    mask = (stimulus_set > 0).astype(jnp.float32)      # [B, 9]
    z_q = z[:, :1, :]                                  # query  [B, 1, n_dim]
    z_r = z[:, 1:, :]                                  # refs   [B, 8, n_dim]
    # Minkowski distance, rho=2, w=1 (non-trainable)
    w = jnp.ones((N_DIM,), dtype=jnp.float32)
    d = jnp.power(jnp.sum(w * jnp.power(jnp.abs(z_q - z_r), RHO), axis=-1) + 1e-12, 1.0 / RHO)  # [B, 8]
    # Exponential similarity: exp(-beta * d^tau) + gamma
    s = jnp.exp(-BETA * jnp.power(d, TAU)) + GAMMA     # [B, 8]
    # masked (padded) references contribute zero similarity
    s = s * mask[:, 1:]
    # RankSimilarity: sequential Luce choice probability of selecting the
    # first n_select=2 references (in order) out of n_reference=8
    total = jnp.sum(s, axis=1)                          # [B]
    p0 = s[:, 0] / jnp.maximum(total, 1e-30)
    rem = total - s[:, 0]
    p1 = s[:, 1] / jnp.maximum(rem, 1e-30)
    prob = p0 * p1                                      # [B]
    return prob

if __name__ == "__main__":
    import jax
    _d = setup_inputs()
    print(jax.jit(kernel)(*tuple(_d.values())))

</pallas_src>

<mosaic_0001>
#map = affine_map<(d0, d1) -> (0)>
module attributes {stable_mosaic.version = 14 : i64} {
  func.func @_rank_sc(%arg0: i32, %arg1: i32, %arg2: memref<147456xi32, #tpu.memory_space<hbm>>, %arg3: memref<63xf32, #tpu.memory_space<hbm>>, %arg4: memref<16384xf32, #tpu.memory_space<hbm>>, %arg5: memref<4608xi32, #tpu.memory_space<vmem>>, %arg6: memref<96xf32, #tpu.memory_space<vmem>>, %arg7: memref<672xf32, #tpu.memory_space<vmem>>, %arg8: memref<512xf32, #tpu.memory_space<vmem>>, %arg9: memref<!tpu.dma_semaphore, #tpu.memory_space<semaphore_mem>>) attributes {dimension_semantics = [#tpu.dimension_semantics<core_parallel>, #tpu.dimension_semantics<subcore_parallel>], iteration_bounds = array<i64: 2, 16>, scalar_prefetch = 0 : i64, scratch_operands = 5 : i64, tpu.core_type = #tpu.core_type<sc_vector_subcore>, window_params = [{transform_indices = #map}, {transform_indices = #map}, {transform_indices = #map}]} {
    %mul3A = arith.constant 2 : i32
    %mul3A_0 = arith.muli %arg1, %mul3A : i32
    %add3A = arith.addi %mul3A_0, %arg0 : i32
    %mul3A_1 = arith.constant 512 : i32
    %mul3A_2 = arith.muli %add3A, %mul3A_1 : i32
    %iota3A = tpu.iota {dimensions = array<i32: 0>} : vector<16xi32>
    %mul3A_3 = arith.constant 9 : i32
    %mul3A_4 = arith.muli %mul3A_2, %mul3A_3 : i32
    %dma_start3A = tpu.memref_slice %arg2[%mul3A_4] : memref<147456xi32, #tpu.memory_space<hbm>> -> memref<4608xi32, #tpu.memory_space<hbm>>
    %dma_start3A_5 = tpu.memref_slice %arg2[%mul3A_4] : memref<147456xi32, #tpu.memory_space<hbm>> -> memref<4608xi32, #tpu.memory_space<hbm>>
    tpu.enqueue_dma source(%dma_start3A_5 : memref<4608xi32, #tpu.memory_space<hbm>>) target(%arg5 : memref<4608xi32, #tpu.memory_space<vmem>>) target_semaphore(%arg9 : memref<!tpu.dma_semaphore, #tpu.memory_space<semaphore_mem>>)
    "tpu.region"() ({
      %run_scoped3A = tpu.sem_alloc : memref<!tpu.dma_semaphore, #tpu.memory_space<semaphore_mem>>
      %dma_start3A_71 = arith.constant 0 : i32
      %dma_start3A_72 = tpu.memref_slice %arg6[%dma_start3A_71] : memref<96xf32, #tpu.memory_space<vmem>> -> memref<63xf32, #tpu.memory_space<vmem>>
      %dma_start3A_73 = arith.constant 0 : i32
      %dma_start3A_74 = tpu.memref_slice %arg6[%dma_start3A_73] : memref<96xf32, #tpu.memory_space<vmem>> -> memref<63xf32, #tpu.memory_space<vmem>>
      tpu.enqueue_dma source(%arg3 : memref<63xf32, #tpu.memory_space<hbm>>) target(%dma_start3A_74 : memref<63xf32, #tpu.memory_space<vmem>>) target_semaphore(%run_scoped3A : memref<!tpu.dma_semaphore, #tpu.memory_space<semaphore_mem>>)
      %dma_wait3A_75 = arith.constant 0 : i32
      %dma_wait3A_76 = tpu.memref_slice %arg6[%dma_wait3A_75] : memref<96xf32, #tpu.memory_space<vmem>> -> memref<63xf32, #tpu.memory_space<vmem>>
      %dma_wait3A_77 = arith.constant 0 : i32
      %dma_wait3A_78 = tpu.memref_slice %arg6[%dma_wait3A_77] : memref<96xf32, #tpu.memory_space<vmem>> -> memref<63xf32, #tpu.memory_space<vmem>>
      tpu.wait_dma2 semaphore(%run_scoped3A : memref<!tpu.dma_semaphore, #tpu.memory_space<semaphore_mem>>) src(%arg3 : memref<63xf32, #tpu.memory_space<hbm>>) dst(%dma_wait3A_78 : memref<63xf32, #tpu.memory_space<vmem>>)
      tpu.yield
    }) : () -> ()
    %add3A_6 = arith.constant 0 : i32
    %add3A_7 = vector.broadcast %add3A_6 : i32 to vector<16xi32>
    %add3A_8 = arith.addi %iota3A, %add3A_7 : vector<16xi32>
    %mul3A_9 = arith.constant 3 : i32
    %mul3A_10 = vector.broadcast %mul3A_9 : i32 to vector<16xi32>
    %mul3A_11 = arith.muli %add3A_8, %mul3A_10 : vector<16xi32>
    %add3A_12 = arith.constant 0 : i32
    %add3A_13 = vector.broadcast %add3A_12 : i32 to vector<16xi32>
    %add3A_14 = arith.addi %mul3A_11, %add3A_13 : vector<16xi32>
    %gather3A = tpu.vector_load_idx %arg6[%add3A_14] : memref<96xf32, #tpu.memory_space<vmem>>[vector<16xi32>], vector<16xf32>,
    %add3A_15 = arith.constant 16 : i32
    %add3A_16 = vector.broadcast %add3A_15 : i32 to vector<16xi32>
    %add3A_17 = arith.addi %iota3A, %add3A_16 : vector<16xi32>
    %mul3A_18 = arith.constant 3 : i32
    %mul3A_19 = vector.broadcast %mul3A_18 : i32 to vector<16xi32>
    %mul3A_20 = arith.muli %add3A_17, %mul3A_19 : vector<16xi32>
    %add3A_21 = arith.constant 0 : i32
    %add3A_22 = vector.broadcast %add3A_21 : i32 to vector<16xi32>
    %add3A_23 = arith.addi %mul3A_20, %add3A_22 : vector<16xi32>
    %gather3A_24 = tpu.vector_load_idx %arg6[%add3A_23] : memref<96xf32, #tpu.memory_space<vmem>>[vector<16xi32>], vector<16xf32>,
    %add3A_25 = arith.constant 0 : i32
    %add3A_26 = vector.broadcast %add3A_25 : i32 to vector<16xi32>
    %add3A_27 = arith.addi %iota3A, %add3A_26 : vector<16xi32>
    %mul3A_28 = arith.constant 3 : i32
    %mul3A_29 = vector.broadcast %mul3A_28 : i32 to vector<16xi32>
    %mul3A_30 = arith.muli %add3A_27, %mul3A_29 : vector<16xi32>
    %add3A_31 = arith.constant 1 : i32
    %add3A_32 = vector.broadcast %add3A_31 : i32 to vector<16xi32>
    %add3A_33 = arith.addi %mul3A_30, %add3A_32 : vector<16xi32>
    %gather3A_34 = tpu.vector_load_idx %arg6[%add3A_33] : memref<96xf32, #tpu.memory_space<vmem>>[vector<16xi32>], vector<16xf32>,
    %add3A_35 = arith.constant 16 : i32
    %add3A_36 = vector.broadcast %add3A_35 : i32 to vector<16xi32>
    %add3A_37 = arith.addi %iota3A, %add3A_36 : vector<16xi32>
    %mul3A_38 = arith.constant 3 : i32
    %mul3A_39 = vector.broadcast %mul3A_38 : i32 to vector<16xi32>
    %mul3A_40 = arith.muli %add3A_37, %mul3A_39 : vector<16xi32>
    %add3A_41 = arith.constant 1 : i32
    %add3A_42 = vector.broadcast %add3A_41 : i32 to vector<16xi32>
    %add3A_43 = arith.addi %mul3A_40, %add3A_42 : vector<16xi32>
    %gather3A_44 = tpu.vector_load_idx %arg6[%add3A_43] : memref<96xf32, #tpu.memory_space<vmem>>[vector<16xi32>], vector<16xf32>,
    %add3A_45 = arith.constant 0 : i32
    %add3A_46 = vector.broadcast %add3A_45 : i32 to vector<16xi32>
    %add3A_47 = arith.addi %iota3A, %add3A_46 : vector<16xi32>
    %mul3A_48 = arith.constant 3 : i32
    %mul3A_49 = vector.broadcast %mul3A_48 : i32 to vector<16xi32>
    %mul3A_50 = arith.muli %add3A_47, %mul3A_49 : vector<16xi32>
    %add3A_51 = arith.constant 2 : i32
    %add3A_52 = vector.broadcast %add3A_51 : i32 to vector<16xi32>
    %add3A_53 = arith.addi %mul3A_50, %add3A_52 : vector<16xi32>
    %gather3A_54 = tpu.vector_load_idx %arg6[%add3A_53] : memref<96xf32, #tpu.memory_space<vmem>>[vector<16xi32>], vector<16xf32>,
    %add3A_55 = arith.constant 16 : i32
    %add3A_56 = vector.broadcast %add3A_55 : i32 to vector<16xi32>
    %add3A_57 = arith.addi %iota3A, %add3A_56 : vector<16xi32>
    %mul3A_58 = arith.constant 3 : i32
    %mul3A_59 = vector.broadcast %mul3A_58 : i32 to vector<16xi32>
    %mul3A_60 = arith.muli %add3A_57, %mul3A_59 : vector<16xi32>
    %add3A_61 = arith.constant 2 : i32
    %add3A_62 = vector.broadcast %add3A_61 : i32 to vector<16xi32>
    %add3A_63 = arith.addi %mul3A_60, %add3A_62 : vector<16xi32>
    %gather3A_64 = tpu.vector_load_idx %arg6[%add3A_63] : memref<96xf32, #tpu.memory_space<vmem>>[vector<16xi32>], vector<16xf32>,
    %parallel_loop3A = arith.constant 0 : i32
    %parallel_loop3A_65 = arith.constant 21 : i32
    %parallel_loop3A_66 = arith.constant 1 : i32
    scf.for %parallel_loop3A_71 = %parallel_loop3A to %parallel_loop3A_65 step %parallel_loop3A_66  : i32 {
      %parallel_loop3A_72 = arith.constant 16 : i32
      %parallel_loop3A_73 = arith.cmpi slt, %parallel_loop3A_71, %parallel_loop3A_72 : i32
      %parallel_loop3A_74 = arith.constant 16 : i32
      %parallel_loop3A_75 = arith.subi %parallel_loop3A_71, %parallel_loop3A_74 : i32
      %parallel_loop3A_76 = arith.select %parallel_loop3A_73, %parallel_loop3A_71, %parallel_loop3A_75 : i32
      %parallel_loop3A_77 = vector.broadcast %parallel_loop3A_76 : i32 to vector<16xi32>
      %parallel_loop3A_78 = vector.shape_cast %parallel_loop3A_77 : vector<16xi32> to vector<16x1xi32>
      %parallel_loop3A_79 = vector.shape_cast %parallel_loop3A_78 : vector<16x1xi32> to vector<16xi32>
      %parallel_loop3A_80 = tpu.dynamic_gather %gather3A[%parallel_loop3A_79] in [0] : vector<16xf32>, vector<16xi32> -> vector<16xf32>
      %parallel_loop3A_81 = vector.shape_cast %parallel_loop3A_77 : vector<16xi32> to vector<16x1xi32>
      %parallel_loop3A_82 = vector.shape_cast %parallel_loop3A_81 : vector<16x1xi32> to vector<16xi32>
      %parallel_loop3A_83 = tpu.dynamic_gather %gather3A_24[%parallel_loop3A_82] in [0] : vector<16xf32>, vector<16xi32> -> vector<16xf32>
      %parallel_loop3A_84 = arith.select %parallel_loop3A_73, %parallel_loop3A_80, %parallel_loop3A_83 : vector<16xf32>
      %parallel_loop3A_85 = vector.shape_cast %parallel_loop3A_77 : vector<16xi32> to vector<16x1xi32>
      %parallel_loop3A_86 = vector.shape_cast %parallel_loop3A_85 : vector<16x1xi32> to vector<16xi32>
      %parallel_loop3A_87 = tpu.dynamic_gather %gather3A_34[%parallel_loop3A_86] in [0] : vector<16xf32>, vector<16xi32> -> vector<16xf32>
      %parallel_loop3A_88 = vector.shape_cast %parallel_loop3A_77 : vector<16xi32> to vector<16x1xi32>
      %parallel_loop3A_89 = vector.shape_cast %parallel_loop3A_88 : vector<16x1xi32> to vector<16xi32>
      %parallel_loop3A_90 = tpu.dynamic_gather %gather3A_44[%parallel_loop3A_89] in [0] : vector<16xf32>, vector<16xi32> -> vector<16xf32>
      %parallel_loop3A_91 = arith.select %parallel_loop3A_73, %parallel_loop3A_87, %parallel_loop3A_90 : vector<16xf32>
      %parallel_loop3A_92 = vector.shape_cast %parallel_loop3A_77 : vector<16xi32> to vector<16x1xi32>
      %parallel_loop3A_93 = vector.shape_cast %parallel_loop3A_92 : vector<16x1xi32> to vector<16xi32>
      %parallel_loop3A_94 = tpu.dynamic_gather %gather3A_54[%parallel_loop3A_93] in [0] : vector<16xf32>, vector<16xi32> -> vector<16xf32>
      %parallel_loop3A_95 = vector.shape_cast %parallel_loop3A_77 : vector<16xi32> to vector<16x1xi32>
      %parallel_loop3A_96 = vector.shape_cast %parallel_loop3A_95 : vector<16x1xi32> to vector<16xi32>
      %parallel_loop3A_97 = tpu.dynamic_gather %gather3A_64[%parallel_loop3A_96] in [0] : vector<16xf32>, vector<16xi32> -> vector<16xf32>
      %parallel_loop3A_98 = arith.select %parallel_loop3A_73, %parallel_loop3A_94, %parallel_loop3A_97 : vector<16xf32>
      %parallel_loop3A_99 = arith.constant 0.000000e+00 : f32
      %parallel_loop3A_100 = vector.broadcast %parallel_loop3A_99 : f32 to vector<16xf32>
      %parallel_loop3A_101 = arith.subf %parallel_loop3A_84, %gather3A : vector<16xf32>
      %parallel_loop3A_102 = arith.mulf %parallel_loop3A_101, %parallel_loop3A_101 : vector<16xf32>
      %parallel_loop3A_103 = arith.addf %parallel_loop3A_100, %parallel_loop3A_102 : vector<16xf32>
      %parallel_loop3A_104 = arith.subf %parallel_loop3A_91, %gather3A_34 : vector<16xf32>
      %parallel_loop3A_105 = arith.mulf %parallel_loop3A_104, %parallel_loop3A_104 : vector<16xf32>
      %parallel_loop3A_106 = arith.addf %parallel_loop3A_103, %parallel_loop3A_105 : vector<16xf32>
      %parallel_loop3A_107 = arith.subf %parallel_loop3A_98, %gather3A_54 : vector<16xf32>
      %parallel_loop3A_108 = arith.mulf %parallel_loop3A_107, %parallel_loop3A_107 : vector<16xf32>
      %parallel_loop3A_109 = arith.addf %parallel_loop3A_106, %parallel_loop3A_108 : vector<16xf32>
      %parallel_loop3A_110 = arith.constant 9.99999996E-13 : f32
      %parallel_loop3A_111 = vector.broadcast %parallel_loop3A_110 : f32 to vector<16xf32>
      %parallel_loop3A_112 = arith.addf %parallel_loop3A_109, %parallel_loop3A_111 : vector<16xf32>
      %parallel_loop3A_113 = vector.bitcast %parallel_loop3A_112 : vector<16xf32> to vector<16xi32>
      %parallel_loop3A_114 = arith.constant 1 : i32
      %parallel_loop3A_115 = vector.broadcast %parallel_loop3A_114 : i32 to vector<16xi32>
      %parallel_loop3A_116 = arith.shrui %parallel_loop3A_113, %parallel_loop3A_115 : vector<16xi32>
      %parallel_loop3A_117 = arith.constant 532487669 : i32
      %parallel_loop3A_118 = vector.broadcast %parallel_loop3A_117 : i32 to vector<16xi32>
      %parallel_loop3A_119 = arith.addi %parallel_loop3A_116, %parallel_loop3A_118 : vector<16xi32>
      %parallel_loop3A_120 = vector.bitcast %parallel_loop3A_119 : vector<16xi32> to vector<16xf32>
      %parallel_loop3A_121 = arith.divf %parallel_loop3A_112, %parallel_loop3A_120 : vector<16xf32>
      %parallel_loop3A_122 = arith.addf %parallel_loop3A_120, %parallel_loop3A_121 : vector<16xf32>
      %parallel_loop3A_123 = arith.constant 5.000000e-01 : f32
      %parallel_loop3A_124 = vector.broadcast %parallel_loop3A_123 : f32 to vector<16xf32>
      %parallel_loop3A_125 = arith.mulf %parallel_loop3A_124, %parallel_loop3A_122 : vector<16xf32>
      %parallel_loop3A_126 = arith.divf %parallel_loop3A_112, %parallel_loop3A_125 : vector<16xf32>
      %parallel_loop3A_127 = arith.addf %parallel_loop3A_125, %parallel_loop3A_126 : vector<16xf32>
      %parallel_loop3A_128 = arith.constant 5.000000e-01 : f32
      %parallel_loop3A_129 = vector.broadcast %parallel_loop3A_128 : f32 to vector<16xf32>
      %parallel_loop3A_130 = arith.mulf %parallel_loop3A_129, %parallel_loop3A_127 : vector<16xf32>
      %parallel_loop3A_131 = arith.constant -1.000000e+01 : f32
      %parallel_loop3A_132 = vector.broadcast %parallel_loop3A_131 : f32 to vector<16xf32>
      %parallel_loop3A_133 = arith.mulf %parallel_loop3A_132, %parallel_loop3A_130 : vector<16xf32>
      %parallel_loop3A_134 = arith.constant -6.000000e+01 : f32
      %parallel_loop3A_135 = vector.broadcast %parallel_loop3A_134 : f32 to vector<16xf32>
      %parallel_loop3A_136 = arith.maximumf %parallel_loop3A_133, %parallel_loop3A_135 : vector<16xf32>
      %parallel_loop3A_137 = arith.constant 1.44269502 : f32
      %parallel_loop3A_138 = vector.broadcast %parallel_loop3A_137 : f32 to vector<16xf32>
      %parallel_loop3A_139 = arith.mulf %parallel_loop3A_136, %parallel_loop3A_138 : vector<16xf32>
      %parallel_loop3A_140 = arith.fptosi %parallel_loop3A_139 : vector<16xf32> to vector<16xi32>
      %parallel_loop3A_141 = arith.sitofp %parallel_loop3A_140 : vector<16xi32> to vector<16xf32>
      %parallel_loop3A_142 = arith.cmpf olt, %parallel_loop3A_139, %parallel_loop3A_141 : vector<16xf32>
      %parallel_loop3A_143 = arith.constant 1 : i32
      %parallel_loop3A_144 = arith.constant 0 : i32
      %parallel_loop3A_145 = vector.broadcast %parallel_loop3A_143 : i32 to vector<16xi32>
      %parallel_loop3A_146 = vector.broadcast %parallel_loop3A_144 : i32 to vector<16xi32>
      %parallel_loop3A_147 = arith.select %parallel_loop3A_142, %parallel_loop3A_145, %parallel_loop3A_146 : vector<16xi1>, vector<16xi32>
      %parallel_loop3A_148 = arith.subi %parallel_loop3A_140, %parallel_loop3A_147 : vector<16xi32>
      %parallel_loop3A_149 = arith.sitofp %parallel_loop3A_148 : vector<16xi32> to vector<16xf32>
      %parallel_loop3A_150 = arith.subf %parallel_loop3A_139, %parallel_loop3A_149 : vector<16xf32>
      %parallel_loop3A_151 = arith.constant 0.693147182 : f32
      %parallel_loop3A_152 = vector.broadcast %parallel_loop3A_151 : f32 to vector<16xf32>
      %parallel_loop3A_153 = arith.mulf %parallel_loop3A_150, %parallel_loop3A_152 : vector<16xf32>
      %parallel_loop3A_154 = arith.constant 0.00138888892 : f32
      %parallel_loop3A_155 = vector.broadcast %parallel_loop3A_154 : f32 to vector<16xf32>
      %parallel_loop3A_156 = arith.mulf %parallel_loop3A_155, %parallel_loop3A_153 : vector<16xf32>
      %parallel_loop3A_157 = arith.constant 0.00833333377 : f32
      %parallel_loop3A_158 = vector.broadcast %parallel_loop3A_157 : f32 to vector<16xf32>
      %parallel_loop3A_159 = arith.addf %parallel_loop3A_156, %parallel_loop3A_158 : vector<16xf32>
      %parallel_loop3A_160 = arith.mulf %parallel_loop3A_159, %parallel_loop3A_153 : vector<16xf32>
      %parallel_loop3A_161 = arith.constant 0.0416666679 : f32
      %parallel_loop3A_162 = vector.broadcast %parallel_loop3A_161 : f32 to vector<16xf32>
      %parallel_loop3A_163 = arith.addf %parallel_loop3A_160, %parallel_loop3A_162 : vector<16xf32>
      %parallel_loop3A_164 = arith.mulf %parallel_loop3A_163, %parallel_loop3A_153 : vector<16xf32>
      %parallel_loop3A_165 = arith.constant 0.166666672 : f32
      %parallel_loop3A_166 = vector.broadcast %parallel_loop3A_165 : f32 to vector<16xf32>
      %parallel_loop3A_167 = arith.addf %parallel_loop3A_164, %parallel_loop3A_166 : vector<16xf32>
      %parallel_loop3A_168 = arith.mulf %parallel_loop3A_167, %parallel_loop3A_153 : vector<16xf32>
      %parallel_loop3A_169 = arith.constant 5.000000e-01 : f32
      %parallel_loop3A_170 = vector.broadcast %parallel_loop3A_169 : f32 to vector<16xf32>
      %parallel_loop3A_171 = arith.addf %parallel_loop3A_168, %parallel_loop3A_170 : vector<16xf32>
      %parallel_loop3A_172 = arith.mulf %parallel_loop3A_171, %parallel_loop3A_153 : vector<16xf32>
      %parallel_loop3A_173 = arith.constant 1.000000e+00 : f32
      %parallel_loop3A_174 = vector.broadcast %parallel_loop3A_173 : f32 to vector<16xf32>
      %parallel_loop3A_175 = arith.addf %parallel_loop3A_172, %parallel_loop3A_174 : vector<16xf32>
      %parallel_loop3A_176 = arith.mulf %parallel_loop3A_175, %parallel_loop3A_153 : vector<16xf32>
      %parallel_loop3A_177 = arith.constant 1.000000e+00 : f32
      %parallel_loop3A_178 = vector.broadcast %parallel_loop3A_177 : f32 to vector<16xf32>
      %parallel_loop3A_179 = arith.addf %parallel_loop3A_176, %parallel_loop3A_178 : vector<16xf32>
      %parallel_loop3A_180 = arith.constant 127 : i32
      %parallel_loop3A_181 = vector.broadcast %parallel_loop3A_180 : i32 to vector<16xi32>
      %parallel_loop3A_182 = arith.addi %parallel_loop3A_148, %parallel_loop3A_181 : vector<16xi32>
      %parallel_loop3A_183 = arith.constant 23 : i32
      %parallel_loop3A_184 = vector.broadcast %parallel_loop3A_183 : i32 to vector<16xi32>
      %parallel_loop3A_185 = arith.shli %parallel_loop3A_182, %parallel_loop3A_184 : vector<16xi32>
      %parallel_loop3A_186 = vector.bitcast %parallel_loop3A_185 : vector<16xi32> to vector<16xf32>
      %parallel_loop3A_187 = arith.mulf %parallel_loop3A_186, %parallel_loop3A_179 : vector<16xf32>
      %parallel_loop3A_188 = arith.constant 1.000000e-03 : f32
      %parallel_loop3A_189 = vector.broadcast %parallel_loop3A_188 : f32 to vector<16xf32>
      %parallel_loop3A_190 = arith.addf %parallel_loop3A_187, %parallel_loop3A_189 : vector<16xf32>
      %parallel_loop3A_191 = arith.constant 0 : i32
      %parallel_loop3A_192 = vector.broadcast %parallel_loop3A_191 : i32 to vector<16xi32>
      %parallel_loop3A_193 = arith.cmpi eq, %iota3A, %parallel_loop3A_192 : vector<16xi32>
      %parallel_loop3A_194 = arith.constant 0.000000e+00 : f32
      %parallel_loop3A_195 = vector.broadcast %parallel_loop3A_194 : f32 to vector<16xf32>
      %parallel_loop3A_196 = arith.select %parallel_loop3A_193, %parallel_loop3A_195, %parallel_loop3A_190 : vector<16xi1>, vector<16xf32>
      %parallel_loop3A_197 = arith.constant 32 : i32
      %parallel_loop3A_198 = arith.muli %parallel_loop3A_71, %parallel_loop3A_197 : i32
      %parallel_loop3A_199 = arith.constant 0 : i32
      %parallel_loop3A_200 = arith.addi %parallel_loop3A_198, %parallel_loop3A_199 : i32
      %parallel_loop3A_201 = arith.index_cast %parallel_loop3A_200 : i32 to index
      %parallel_loop3A_202 = tpu.vector_load %arg7[%parallel_loop3A_201] {strides = array<i32>} : memref<672xf32, #tpu.memory_space<vmem>>, vector<16xf32>,
      tpu.vector_store %arg7[%parallel_loop3A_201], %parallel_loop3A_196 {strides = array<i32>} : memref<672xf32, #tpu.memory_space<vmem>>, vector<16xf32>,
      %parallel_loop3A_203 = arith.constant 0.000000e+00 : f32
      %parallel_loop3A_204 = vector.broadcast %parallel_loop3A_203 : f32 to vector<16xf32>
      %parallel_loop3A_205 = arith.subf %parallel_loop3A_84, %gather3A_24 : vector<16xf32>
      %parallel_loop3A_206 = arith.mulf %parallel_loop3A_205, %parallel_loop3A_205 : vector<16xf32>
      %parallel_loop3A_207 = arith.addf %parallel_loop3A_204, %parallel_loop3A_206 : vector<16xf32>
      %parallel_loop3A_208 = arith.subf %parallel_loop3A_91, %gather3A_44 : vector<16xf32>
      %parallel_loop3A_209 = arith.mulf %parallel_loop3A_208, %parallel_loop3A_208 : vector<16xf32>
      %parallel_loop3A_210 = arith.addf %parallel_loop3A_207, %parallel_loop3A_209 : vector<16xf32>
      %parallel_loop3A_211 = arith.subf %parallel_loop3A_98, %gather3A_64 : vector<16xf32>
      %parallel_loop3A_212 = arith.mulf %parallel_loop3A_211, %parallel_loop3A_211 : vector<16xf32>
      %parallel_loop3A_213 = arith.addf %parallel_loop3A_210, %parallel_loop3A_212 : vector<16xf32>
      %parallel_loop3A_214 = arith.constant 9.99999996E-13 : f32
      %parallel_loop3A_215 = vector.broadcast %parallel_loop3A_214 : f32 to vector<16xf32>
      %parallel_loop3A_216 = arith.addf %parallel_loop3A_213, %parallel_loop3A_215 : vector<16xf32>
      %parallel_loop3A_217 = vector.bitcast %parallel_loop3A_216 : vector<16xf32> to vector<16xi32>
      %parallel_loop3A_218 = arith.constant 1 : i32
      %parallel_loop3A_219 = vector.broadcast %parallel_loop3A_218 : i32 to vector<16xi32>
      %parallel_loop3A_220 = arith.shrui %parallel_loop3A_217, %parallel_loop3A_219 : vector<16xi32>
      %parallel_loop3A_221 = arith.constant 532487669 : i32
      %parallel_loop3A_222 = vector.broadcast %parallel_loop3A_221 : i32 to vector<16xi32>
      %parallel_loop3A_223 = arith.addi %parallel_loop3A_220, %parallel_loop3A_222 : vector<16xi32>
      %parallel_loop3A_224 = vector.bitcast %parallel_loop3A_223 : vector<16xi32> to vector<16xf32>
      %parallel_loop3A_225 = arith.divf %parallel_loop3A_216, %parallel_loop3A_224 : vector<16xf32>
      %parallel_loop3A_226 = arith.addf %parallel_loop3A_224, %parallel_loop3A_225 : vector<16xf32>
      %parallel_loop3A_227 = arith.constant 5.000000e-01 : f32
      %parallel_loop3A_228 = vector.broadcast %parallel_loop3A_227 : f32 to vector<16xf32>
      %parallel_loop3A_229 = arith.mulf %parallel_loop3A_228, %parallel_loop3A_226 : vector<16xf32>
      %parallel_loop3A_230 = arith.divf %parallel_loop3A_216, %parallel_loop3A_229 : vector<16xf32>
      %parallel_loop3A_231 = arith.addf %parallel_loop3A_229, %parallel_loop3A_230 : vector<16xf32>
      %parallel_loop3A_232 = arith.constant 5.000000e-01 : f32
      %parallel_loop3A_233 = vector.broadcast %parallel_loop3A_232 : f32 to vector<16xf32>
      %parallel_loop3A_234 = arith.mulf %parallel_loop3A_233, %parallel_loop3A_231 : vector<16xf32>
      %parallel_loop3A_235 = arith.constant -1.000000e+01 : f32
      %parallel_loop3A_236 = vector.broadcast %parallel_loop3A_235 : f32 to vector<16xf32>
      %parallel_loop3A_237 = arith.mulf %parallel_loop3A_236, %parallel_loop3A_234 : vector<16xf32>
      %parallel_loop3A_238 = arith.constant -6.000000e+01 : f32
      %parallel_loop3A_239 = vector.broadcast %parallel_loop3A_238 : f32 to vector<16xf32>
      %parallel_loop3A_240 = arith.maximumf %parallel_loop3A_237, %parallel_loop3A_239 : vector<16xf32>
      %parallel_loop3A_241 = arith.constant 1.44269502 : f32
      %parallel_loop3A_242 = vector.broadcast %parallel_loop3A_241 : f32 to vector<16xf32>
      %parallel_loop3A_243 = arith.mulf %parallel_loop3A_240, %parallel_loop3A_242 : vector<16xf32>
      %parallel_loop3A_244 = arith.fptosi %parallel_loop3A_243 : vector<16xf32> to vector<16xi32>
      %parallel_loop3A_245 = arith.sitofp %parallel_loop3A_244 : vector<16xi32> to vector<16xf32>
      %parallel_loop3A_246 = arith.cmpf olt, %parallel_loop3A_243, %parallel_loop3A_245 : vector<16xf32>
      %parallel_loop3A_247 = arith.constant 1 : i32
      %parallel_loop3A_248 = arith.constant 0 : i32
      %parallel_loop3A_249 = vector.broadcast %parallel_loop3A_247 : i32 to vector<16xi32>
      %parallel_loop3A_250 = vector.broadcast %parallel_loop3A_248 : i32 to vector<16xi32>
      %parallel_loop3A_251 = arith.select %parallel_loop3A_246, %parallel_loop3A_249, %parallel_loop3A_250 : vector<16xi1>, vector<16xi32>
      %parallel_loop3A_252 = arith.subi %parallel_loop3A_244, %parallel_loop3A_251 : vector<16xi32>
      %parallel_loop3A_253 = arith.sitofp %parallel_loop3A_252 : vector<16xi32> to vector<16xf32>
      %parallel_loop3A_254 = arith.subf %parallel_loop3A_243, %parallel_loop3A_253 : vector<16xf32>
      %parallel_loop3A_255 = arith.constant 0.693147182 : f32
      %parallel_loop3A_256 = vector.broadcast %parallel_loop3A_255 : f32 to vector<16xf32>
      %parallel_loop3A_257 = arith.mulf %parallel_loop3A_254, %parallel_loop3A_256 : vector<16xf32>
      %parallel_loop3A_258 = arith.constant 0.00138888892 : f32
      %parallel_loop3A_259 = vector.broadcast %parallel_loop3A_258 : f32 to vector<16xf32>
      %parallel_loop3A_260 = arith.mulf %parallel_loop3A_259, %parallel_loop3A_257 : vector<16xf32>
      %parallel_loop3A_261 = arith.constant 0.00833333377 : f32
      %parallel_loop3A_262 = vector.broadcast %parallel_loop3A_261 : f32 to vector<16xf32>
      %parallel_loop3A_263 = arith.addf %parallel_loop3A_260, %parallel_loop3A_262 : vector<16xf32>
      %parallel_loop3A_264 = arith.mulf %parallel_loop3A_263, %parallel_loop3A_257 : vector<16xf32>
      %parallel_loop3A_265 = arith.constant 0.0416666679 : f32
      %parallel_loop3A_266 = vector.broadcast %parallel_loop3A_265 : f32 to vector<16xf32>
      %parallel_loop3A_267 = arith.addf %parallel_loop3A_264, %parallel_loop3A_266 : vector<16xf32>
      %parallel_loop3A_268 = arith.mulf %parallel_loop3A_267, %parallel_loop3A_257 : vector<16xf32>
      %parallel_loop3A_269 = arith.constant 0.166666672 : f32
      %parallel_loop3A_270 = vector.broadcast %parallel_loop3A_269 : f32 to vector<16xf32>
      %parallel_loop3A_271 = arith.addf %parallel_loop3A_268, %parallel_loop3A_270 : vector<16xf32>
      %parallel_loop3A_272 = arith.mulf %parallel_loop3A_271, %parallel_loop3A_257 : vector<16xf32>
      %parallel_loop3A_273 = arith.constant 5.000000e-01 : f32
      %parallel_loop3A_274 = vector.broadcast %parallel_loop3A_273 : f32 to vector<16xf32>
      %parallel_loop3A_275 = arith.addf %parallel_loop3A_272, %parallel_loop3A_274 : vector<16xf32>
      %parallel_loop3A_276 = arith.mulf %parallel_loop3A_275, %parallel_loop3A_257 : vector<16xf32>
      %parallel_loop3A_277 = arith.constant 1.000000e+00 : f32
      %parallel_loop3A_278 = vector.broadcast %parallel_loop3A_277 : f32 to vector<16xf32>
      %parallel_loop3A_279 = arith.addf %parallel_loop3A_276, %parallel_loop3A_278 : vector<16xf32>
      %parallel_loop3A_280 = arith.mulf %parallel_loop3A_279, %parallel_loop3A_257 : vector<16xf32>
      %parallel_loop3A_281 = arith.constant 1.000000e+00 : f32
      %parallel_loop3A_282 = vector.broadcast %parallel_loop3A_281 : f32 to vector<16xf32>
      %parallel_loop3A_283 = arith.addf %parallel_loop3A_280, %parallel_loop3A_282 : vector<16xf32>
      %parallel_loop3A_284 = arith.constant 127 : i32
      %parallel_loop3A_285 = vector.broadcast %parallel_loop3A_284 : i32 to vector<16xi32>
      %parallel_loop3A_286 = arith.addi %parallel_loop3A_252, %parallel_loop3A_285 : vector<16xi32>
      %parallel_loop3A_287 = arith.constant 23 : i32
      %parallel_loop3A_288 = vector.broadcast %parallel_loop3A_287 : i32 to vector<16xi32>
      %parallel_loop3A_289 = arith.shli %parallel_loop3A_286, %parallel_loop3A_288 : vector<16xi32>
      %parallel_loop3A_290 = vector.bitcast %parallel_loop3A_289 : vector<16xi32> to vector<16xf32>
      %parallel_loop3A_291 = arith.mulf %parallel_loop3A_290, %parallel_loop3A_283 : vector<16xf32>
      %parallel_loop3A_292 = arith.constant 1.000000e-03 : f32
      %parallel_loop3A_293 = vector.broadcast %parallel_loop3A_292 : f32 to vector<16xf32>
      %parallel_loop3A_294 = arith.addf %parallel_loop3A_291, %parallel_loop3A_293 : vector<16xf32>
      %parallel_loop3A_295 = arith.constant 32 : i32
      %parallel_loop3A_296 = arith.muli %parallel_loop3A_71, %parallel_loop3A_295 : i32
      %parallel_loop3A_297 = arith.constant 16 : i32
      %parallel_loop3A_298 = arith.addi %parallel_loop3A_296, %parallel_loop3A_297 : i32
      %parallel_loop3A_299 = arith.index_cast %parallel_loop3A_298 : i32 to index
      %parallel_loop3A_300 = tpu.vector_load %arg7[%parallel_loop3A_299] {strides = array<i32>} : memref<672xf32, #tpu.memory_space<vmem>>, vector<16xf32>,
      tpu.vector_store %arg7[%parallel_loop3A_299], %parallel_loop3A_294 {strides = array<i32>} : memref<672xf32, #tpu.memory_space<vmem>>, vector<16xf32>,
    } {sc.loop_unroll_factor = 3 : i64, sc.parallel_access}
    %dma_wait3A = tpu.memref_slice %arg2[%mul3A_4] : memref<147456xi32, #tpu.memory_space<hbm>> -> memref<4608xi32, #tpu.memory_space<hbm>>
    %dma_wait3A_67 = tpu.memref_slice %arg2[%mul3A_4] : memref<147456xi32, #tpu.memory_space<hbm>> -> memref<4608xi32, #tpu.memory_space<hbm>>
    tpu.wait_dma2 semaphore(%arg9 : memref<!tpu.dma_semaphore, #tpu.memory_space<semaphore_mem>>) src(%dma_wait3A_67 : memref<4608xi32, #tpu.memory_space<hbm>>) dst(%arg5 : memref<4608xi32, #tpu.memory_space<vmem>>)
    %parallel_loop3A_68 = arith.constant 0 : i32
    %parallel_loop3A_69 = arith.constant 32 : i32
    %parallel_loop3A_70 = arith.constant 1 : i32
    scf.for %parallel_loop3A_71 = %parallel_loop3A_68 to %parallel_loop3A_69 step %parallel_loop3A_70  : i32 {
      %parallel_loop3A_72 = arith.constant 16 : i32
      %parallel_loop3A_73 = arith.muli %parallel_loop3A_71, %parallel_loop3A_72 : i32
      %parallel_loop3A_74 = vector.broadcast %parallel_loop3A_73 : i32 to vector<16xi32>
      %parallel_loop3A_75 = arith.addi %iota3A, %parallel_loop3A_74 : vector<16xi32>
      %parallel_loop3A_76 = arith.constant 9 : i32
      %parallel_loop3A_77 = vector.broadcast %parallel_loop3A_76 : i32 to vector<16xi32>
      %parallel_loop3A_78 = arith.muli %parallel_loop3A_75, %parallel_loop3A_77 : vector<16xi32>
      %parallel_loop3A_79 = tpu.vector_load_idx %arg5[%parallel_loop3A_78] : memref<4608xi32, #tpu.memory_space<vmem>>[vector<16xi32>], vector<16xi32>,
      %parallel_loop3A_80 = arith.constant 32 : i32
      %parallel_loop3A_81 = vector.broadcast %parallel_loop3A_80 : i32 to vector<16xi32>
      %parallel_loop3A_82 = arith.muli %parallel_loop3A_79, %parallel_loop3A_81 : vector<16xi32>
      %parallel_loop3A_83 = arith.constant 1 : i32
      %parallel_loop3A_84 = vector.broadcast %parallel_loop3A_83 : i32 to vector<16xi32>
      %parallel_loop3A_85 = arith.addi %parallel_loop3A_78, %parallel_loop3A_84 : vector<16xi32>
      %parallel_loop3A_86 = tpu.vector_load_idx %arg5[%parallel_loop3A_85] : memref<4608xi32, #tpu.memory_space<vmem>>[vector<16xi32>], vector<16xi32>,
      %parallel_loop3A_87 = arith.addi %parallel_loop3A_82, %parallel_loop3A_86 : vector<16xi32>
      %parallel_loop3A_88 = tpu.vector_load_idx %arg7[%parallel_loop3A_87] : memref<672xf32, #tpu.memory_space<vmem>>[vector<16xi32>], vector<16xf32>,
      %parallel_loop3A_89 = arith.constant 2 : i32
      %parallel_loop3A_90 = vector.broadcast %parallel_loop3A_89 : i32 to vector<16xi32>
      %parallel_loop3A_91 = arith.addi %parallel_loop3A_78, %parallel_loop3A_90 : vector<16xi32>
      %parallel_loop3A_92 = tpu.vector_load_idx %arg5[%parallel_loop3A_91] : memref<4608xi32, #tpu.memory_space<vmem>>[vector<16xi32>], vector<16xi32>,
      %parallel_loop3A_93 = arith.addi %parallel_loop3A_82, %parallel_loop3A_92 : vector<16xi32>
      %parallel_loop3A_94 = tpu.vector_load_idx %arg7[%parallel_loop3A_93] : memref<672xf32, #tpu.memory_space<vmem>>[vector<16xi32>], vector<16xf32>,
      %parallel_loop3A_95 = arith.constant 3 : i32
      %parallel_loop3A_96 = vector.broadcast %parallel_loop3A_95 : i32 to vector<16xi32>
      %parallel_loop3A_97 = arith.addi %parallel_loop3A_78, %parallel_loop3A_96 : vector<16xi32>
      %parallel_loop3A_98 = tpu.vector_load_idx %arg5[%parallel_loop3A_97] : memref<4608xi32, #tpu.memory_space<vmem>>[vector<16xi32>], vector<16xi32>,
      %parallel_loop3A_99 = arith.addi %parallel_loop3A_82, %parallel_loop3A_98 : vector<16xi32>
      %parallel_loop3A_100 = tpu.vector_load_idx %arg7[%parallel_loop3A_99] : memref<672xf32, #tpu.memory_space<vmem>>[vector<16xi32>], vector<16xf32>,
      %parallel_loop3A_101 = arith.constant 4 : i32
      %parallel_loop3A_102 = vector.broadcast %parallel_loop3A_101 : i32 to vector<16xi32>
      %parallel_loop3A_103 = arith.addi %parallel_loop3A_78, %parallel_loop3A_102 : vector<16xi32>
      %parallel_loop3A_104 = tpu.vector_load_idx %arg5[%parallel_loop3A_103] : memref<4608xi32, #tpu.memory_space<vmem>>[vector<16xi32>], vector<16xi32>,
      %parallel_loop3A_105 = arith.addi %parallel_loop3A_82, %parallel_loop3A_104 : vector<16xi32>
      %parallel_loop3A_106 = tpu.vector_load_idx %arg7[%parallel_loop3A_105] : memref<672xf32, #tpu.memory_space<vmem>>[vector<16xi32>], vector<16xf32>,
      %parallel_loop3A_107 = arith.constant 5 : i32
      %parallel_loop3A_108 = vector.broadcast %parallel_loop3A_107 : i32 to vector<16xi32>
      %parallel_loop3A_109 = arith.addi %parallel_loop3A_78, %parallel_loop3A_108 : vector<16xi32>
      %parallel_loop3A_110 = tpu.vector_load_idx %arg5[%parallel_loop3A_109] : memref<4608xi32, #tpu.memory_space<vmem>>[vector<16xi32>], vector<16xi32>,
      %parallel_loop3A_111 = arith.addi %parallel_loop3A_82, %parallel_loop3A_110 : vector<16xi32>
      %parallel_loop3A_112 = tpu.vector_load_idx %arg7[%parallel_loop3A_111] : memref<672xf32, #tpu.memory_space<vmem>>[vector<16xi32>], vector<16xf32>,
      %parallel_loop3A_113 = arith.constant 6 : i32
      %parallel_loop3A_114 = vector.broadcast %parallel_loop3A_113 : i32 to vector<16xi32>
      %parallel_loop3A_115 = arith.addi %parallel_loop3A_78, %parallel_loop3A_114 : vector<16xi32>
      %parallel_loop3A_116 = tpu.vector_load_idx %arg5[%parallel_loop3A_115] : memref<4608xi32, #tpu.memory_space<vmem>>[vector<16xi32>], vector<16xi32>,
      %parallel_loop3A_117 = arith.addi %parallel_loop3A_82, %parallel_loop3A_116 : vector<16xi32>
      %parallel_loop3A_118 = tpu.vector_load_idx %arg7[%parallel_loop3A_117] : memref<672xf32, #tpu.memory_space<vmem>>[vector<16xi32>], vector<16xf32>,
      %parallel_loop3A_119 = arith.constant 7 : i32
      %parallel_loop3A_120 = vector.broadcast %parallel_loop3A_119 : i32 to vector<16xi32>
      %parallel_loop3A_121 = arith.addi %parallel_loop3A_78, %parallel_loop3A_120 : vector<16xi32>
      %parallel_loop3A_122 = tpu.vector_load_idx %arg5[%parallel_loop3A_121] : memref<4608xi32, #tpu.memory_space<vmem>>[vector<16xi32>], vector<16xi32>,
      %parallel_loop3A_123 = arith.addi %parallel_loop3A_82, %parallel_loop3A_122 : vector<16xi32>
      %parallel_loop3A_124 = tpu.vector_load_idx %arg7[%parallel_loop3A_123] : memref<672xf32, #tpu.memory_space<vmem>>[vector<16xi32>], vector<16xf32>,
      %parallel_loop3A_125 = arith.constant 8 : i32
      %parallel_loop3A_126 = vector.broadcast %parallel_loop3A_125 : i32 to vector<16xi32>
      %parallel_loop3A_127 = arith.addi %parallel_loop3A_78, %parallel_loop3A_126 : vector<16xi32>
      %parallel_loop3A_128 = tpu.vector_load_idx %arg5[%parallel_loop3A_127] : memref<4608xi32, #tpu.memory_space<vmem>>[vector<16xi32>], vector<16xi32>,
      %parallel_loop3A_129 = arith.addi %parallel_loop3A_82, %parallel_loop3A_128 : vector<16xi32>
      %parallel_loop3A_130 = tpu.vector_load_idx %arg7[%parallel_loop3A_129] : memref<672xf32, #tpu.memory_space<vmem>>[vector<16xi32>], vector<16xf32>,
      %parallel_loop3A_131 = arith.addf %parallel_loop3A_88, %parallel_loop3A_94 : vector<16xf32>
      %parallel_loop3A_132 = arith.addf %parallel_loop3A_131, %parallel_loop3A_100 : vector<16xf32>
      %parallel_loop3A_133 = arith.addf %parallel_loop3A_132, %parallel_loop3A_106 : vector<16xf32>
      %parallel_loop3A_134 = arith.addf %parallel_loop3A_133, %parallel_loop3A_112 : vector<16xf32>
      %parallel_loop3A_135 = arith.addf %parallel_loop3A_134, %parallel_loop3A_118 : vector<16xf32>
      %parallel_loop3A_136 = arith.addf %parallel_loop3A_135, %parallel_loop3A_124 : vector<16xf32>
      %parallel_loop3A_137 = arith.addf %parallel_loop3A_136, %parallel_loop3A_130 : vector<16xf32>
      %parallel_loop3A_138 = arith.constant 1.000000e-30 : f32
      %parallel_loop3A_139 = vector.broadcast %parallel_loop3A_138 : f32 to vector<16xf32>
      %parallel_loop3A_140 = arith.maximumf %parallel_loop3A_137, %parallel_loop3A_139 : vector<16xf32>
      %parallel_loop3A_141 = arith.divf %parallel_loop3A_88, %parallel_loop3A_140 : vector<16xf32>
      %parallel_loop3A_142 = arith.subf %parallel_loop3A_137, %parallel_loop3A_88 : vector<16xf32>
      %parallel_loop3A_143 = arith.constant 1.000000e-30 : f32
      %parallel_loop3A_144 = vector.broadcast %parallel_loop3A_143 : f32 to vector<16xf32>
      %parallel_loop3A_145 = arith.maximumf %parallel_loop3A_142, %parallel_loop3A_144 : vector<16xf32>
      %parallel_loop3A_146 = arith.divf %parallel_loop3A_94, %parallel_loop3A_145 : vector<16xf32>
      %parallel_loop3A_147 = arith.mulf %parallel_loop3A_141, %parallel_loop3A_146 : vector<16xf32>
      %parallel_loop3A_148 = arith.constant 16 : i32
      %parallel_loop3A_149 = arith.muli %parallel_loop3A_71, %parallel_loop3A_148 : i32
      %parallel_loop3A_150 = arith.index_cast %parallel_loop3A_149 : i32 to index
      %parallel_loop3A_151 = tpu.vector_load %arg8[%parallel_loop3A_150] {strides = array<i32>} : memref<512xf32, #tpu.memory_space<vmem>>, vector<16xf32>,
      tpu.vector_store %arg8[%parallel_loop3A_150], %parallel_loop3A_147 {strides = array<i32>} : memref<512xf32, #tpu.memory_space<vmem>>, vector<16xf32>,
    } {sc.loop_unroll_factor = 2 : i64, sc.parallel_access}
    "tpu.region"() ({
      %run_scoped3A = tpu.sem_alloc : memref<!tpu.dma_semaphore, #tpu.memory_space<semaphore_mem>>
      %dma_start3A_71 = tpu.memref_slice %arg4[%mul3A_2] : memref<16384xf32, #tpu.memory_space<hbm>> -> memref<512xf32, #tpu.memory_space<hbm>>
      %dma_start3A_72 = tpu.memref_slice %arg4[%mul3A_2] : memref<16384xf32, #tpu.memory_space<hbm>> -> memref<512xf32, #tpu.memory_space<hbm>>
      tpu.enqueue_dma source(%arg8 : memref<512xf32, #tpu.memory_space<vmem>>) target(%dma_start3A_72 : memref<512xf32, #tpu.memory_space<hbm>>) target_semaphore(%run_scoped3A : memref<!tpu.dma_semaphore, #tpu.memory_space<semaphore_mem>>)
      %dma_wait3A_73 = tpu.memref_slice %arg4[%mul3A_2] : memref<16384xf32, #tpu.memory_space<hbm>> -> memref<512xf32, #tpu.memory_space<hbm>>
      %dma_wait3A_74 = tpu.memref_slice %arg4[%mul3A_2] : memref<16384xf32, #tpu.memory_space<hbm>> -> memref<512xf32, #tpu.memory_space<hbm>>
      tpu.wait_dma2 semaphore(%run_scoped3A : memref<!tpu.dma_semaphore, #tpu.memory_space<semaphore_mem>>) src(%arg8 : memref<512xf32, #tpu.memory_space<vmem>>) dst(%dma_wait3A_74 : memref<512xf32, #tpu.memory_space<hbm>>)
      tpu.yield
    }) : () -> ()
    return
  }
}

</mosaic_0001>

<sc_bundles>
// kernel: kernel.3.cloned.1.call-start
scs
__scs_entry_jumppad:
0x0: {  	(pc) =	sbr.rel $0x88, $3  }
0x1: {  	(tag) =	ssettag $0x0;
	lr =	simm.s32 $0x1  }
0x2: {  	[smem:$0x3F9F] =	sst lr;
	_ =	strace $0xD0000000  }
0x3: {  	_ = 	snop  }
0x4: {  	_ = 	snop  }
0x5: {  	_ = 	snop  }
0x6: {  	_ = 	snop  }
0x7: {  	_ = 	snop  }
__scs_overlays_trampoline_lowered:
0x8: {  	[smem:$0x3FAE] =	sst s0  }
0x9: {  	[smem:$0x3FAF] =	sst s1  }
0xa: {  	[smem:$0x3FB0] =	sst s2  }
0xb: {  	[smem:$0x3FB1] =	sst s3  }
0xc: {  	[smem:$0x3FB2] =	sst s4  }
0xd: {  	[smem:$0x3FB3] =	sst s5  }
0xe: {  	[smem:$0x3FB4] =	sst s6  }
0xf: {  	[smem:$0x3FB5] =	sst s7  }
0x10: {  	[smem:$0x3FB6] =	sst s8  }
0x11: {  	[smem:$0x3FB7] =	sst s9;
	s0 =	simm.s32 @!p0 $0x0  }
0x12: {  	s1 =	sld [smem:$0x3F9D];
	s0 =	simm.s32 @p0 $0x1  }
0x13: {  	[smem:$0x3FB8] =	sst s0;
	s0 =	simm.s32 @!p1 $0x0  }
0x14: {  	s2 =	sld [smem:$0x3F9C];
	s0 =	simm.s32 @p1 $0x1  }
0x15: {  	[smem:$0x3FB9] =	sst s0;
	s0 =	simm.s32 @!p2 $0x0  }
0x16: {  	s3 =	sld [smem:$0x3FDB];
	s0 =	simm.s32 @p2 $0x1  }
0x17: {  	s4 =	simm.s32 $0x1BF5;
	[smem:$0x3FBB] =	sst s0  }
0x18: {  	s0 =	sld [smem:$0x3F9E];
	_ =	swait.ge [sflag:s4], $0x0  }
0x19: {  	s7 =	sld [smem:$0x3F9F]  }
0x1a: {  	s8 =	sadd.s32 $0xFFFFE003, lr  }
0x1b: {  	s9 =	sadd.s32 $0xFFFFFEF7, lr;
	s5 =	simm.s32 $0xFFFFFFFF;
	p2 =	slt.u32 s8, $0xFFFFF086  }
0x1c: {  	p1 =	slt.u32 s9, $0xF7A;
	s5 =	simm.s32 @!p2 $0x0  }
0x1d: {  	s5 =	simm.s32 @p1 $0x1;
	p0 =	seq.s32 s7, s2  }
0x1e: {  	s7 =	smul.u32 @!p0 $0xF7A, s2;
	p2 =	seq.s32 @!p0 s5, $0x0  }
0x1f: {  	s9 =	smul.u32 $0xF7A, s1;
	s8 =	simm.s32 @!p0 $0x1BF5;
	p2 =	por !p2, p0  }
0x20: {  	[sflag:s8] =	ssyncset.s32 @!p0 $0xFFFFF086;
	s6 =	sadd.s32 @!p0 s3, s7;
	s7 =	simm.s32 @!p0 $0x108  }
0x21: {  	s3 =	sadd.s32 s3, s9;
	s6 =	sadd.s32 @!p0 $0x88, s6;
	s7 =	simm.s32 @p2 $0x1082  }
0x22: {  	[simem:s7], [sflag:s8] =	dma.local @!p0 [hbm:s6], $0xF7A  }
0x23: {  	s9 =	sor.u32 $0xD0000000, s2;
	s6 =	simm.s32 $0x108;
	_ =	swait.ge @!p0 [sflag:s8], $0x0  }
0x24: {  	s3 =	sadd.s32 $0x88, s3;
	s6 =	simm.s32 @!p1 $0x1082;
	[sflag:s4] =	ssyncset.s32 $0xFFFFF086  }
0x25: {  	[simem:s6], [sflag:s4] =	dma.local [hbm:s3], $0xF7A  }
0x26: {  	[smem:$0x3F9F] =	sst s1;
	(tag) =	ssettag s2;
	_ =	strace s9  }
0x27: {  	s1 =	sld [smem:$0x3FAF]  }
0x28: {  	s2 =	sld [smem:$0x3FB0]  }
0x29: {  	s4 =	sld [smem:$0x3FB2]  }
0x2a: {  	p0 =	seq.s32 s5, $0x0;
	s5 =	sld [smem:$0x3FB3]  }
0x2b: {  	s6 =	sld [smem:$0x3FB4]  }
0x2c: {  	s7 =	sld [smem:$0x3FB5]  }
0x2d: {  	s3 =	simm.s32 $0x108;
	s8 =	sld [smem:$0x3FB6]  }
0x2e: {  	s3 =	simm.s32 @!p0 $0x1082;
	s9 =	sld [smem:$0x3FB7]  }
0x2f: {  	lr =	sadd.s32 s0, s3;
	s0 =	sld [smem:$0x3FAE]  }
0x30: {  	s3 =	sld [smem:$0x3FB1]  }
0x31: {  	[smem:$0x3FBA] =	sst s10  }
0x32: {  	s10 =	sld [smem:$0x3FB8];
	_ =	sdelay $0x3  }
0x33: {  	p0 =	seq.s32 s10, $0x1;
	s10 =	sld [smem:$0x3FBA];
	_ =	sdelay $0x3  }
0x34: {  	[smem:$0x3FBA] =	sst s10  }
0x35: {  	s10 =	sld [smem:$0x3FB9];
	_ =	sdelay $0x3  }
0x36: {  	p1 =	seq.s32 s10, $0x1;
	s10 =	sld [smem:$0x3FBA];
	_ =	sdelay $0x3  }
0x37: {  	[smem:$0x3FBA] =	sst s10  }
0x38: {  	s10 =	sld [smem:$0x3FBB]  }
0x39: {  	_ = 	snop;
	(pc) =	sbr.ind lr, $3  }
0x3a: {  	_ = 	snop  }
0x3b: {  	_ = 	snop  }
0x3c: {  	p2 =	seq.s32 s10, $0x1;
	s10 =	sld [smem:$0x3FBA]  }
0x3d: {  	_ =	shalt  }
0x3e: {  	_ =	shalt  }
0x3f: {  	_ =	shalt  }
0x40: {  	_ =	shalt  }
0x41: {  	_ =	shalt  }
0x42: {  	_ =	shalt  }
0x43: {  	_ =	shalt  }
0x44: {  	_ =	shalt  }
0x45: {  	_ =	shalt  }
0x46: {  	_ =	shalt  }
0x47: {  	_ =	shalt  }
0x48: {  	_ =	shalt  }
0x49: {  	_ =	shalt  }
0x4a: {  	_ =	shalt  }
0x4b: {  	_ =	shalt  }
0x4c: {  	_ =	shalt  }
0x4d: {  	_ =	shalt  }
0x4e: {  	_ =	shalt  }
0x4f: {  	_ =	shalt  }
0x50: {  	_ =	shalt  }
0x51: {  	_ =	shalt  }
0x52: {  	_ =	shalt  }
0x53: {  	_ =	shalt  }
0x54: {  	_ =	shalt  }
0x55: {  	_ =	shalt  }
0x56: {  	_ =	shalt  }
0x57: {  	_ =	shalt  }
0x58: {  	_ =	shalt  }
0x59: {  	_ =	shalt  }
0x5a: {  	_ =	shalt  }
0x5b: {  	_ =	shalt  }
0x5c: {  	_ =	shalt  }
0x5d: {  	_ =	shalt  }
0x5e: {  	_ =	shalt  }
0x5f: {  	_ =	shalt  }
0x60: {  	_ =	shalt  }
0x61: {  	_ =	shalt  }
0x62: {  	_ =	shalt  }
0x63: {  	_ =	shalt  }
0x64: {  	_ =	shalt  }
0x65: {  	_ =	shalt  }
0x66: {  	_ =	shalt  }
0x67: {  	_ =	shalt  }
0x68: {  	_ =	shalt  }
0x69: {  	_ =	shalt  }
0x6a: {  	_ =	shalt  }
0x6b: {  	_ =	shalt  }
0x6c: {  	_ =	shalt  }
0x6d: {  	_ =	shalt  }
0x6e: {  	_ =	shalt  }
0x6f: {  	_ =	shalt  }
0x70: {  	_ =	shalt  }
0x71: {  	_ =	shalt  }
0x72: {  	_ =	shalt  }
0x73: {  	_ =	shalt  }
0x74: {  	_ =	shalt  }
0x75: {  	_ =	shalt  }
0x76: {  	_ =	shalt  }
0x77: {  	_ =	shalt  }
0x78: {  	_ =	shalt  }
0x79: {  	_ =	shalt  }
0x7a: {  	_ =	shalt  }
0x7b: {  	_ =	shalt  }
0x7c: {  	_ =	shalt  }
0x7d: {  	_ =	shalt  }
0x7e: {  	_ =	shalt  }
0x7f: {  	_ =	shalt  }
0x80: {  	_ =	shalt  }
0x81: {  	_ =	shalt  }
0x82: {  	_ =	shalt  }
0x83: {  	_ =	shalt  }
0x84: {  	_ =	shalt  }
0x85: {  	_ =	shalt  }
0x86: {  	_ =	shalt  }
0x87: {  	_ =	shalt  }
.Lfunc_end0:
.L_simem_size_0:
called_computation_lowered:
.L_overlay_start_0:
0x88: {  	s2 =	sld [smem:$0x3FD9]  }
0x89: {  	s3 =	sld [smem:$0x3FFE];
	_ =	sdelay $0x1  }
0x8a: {  	s1 =	srdreg.scid  }
0x8b: {  	s0 =	sand.u32 $0x1, s1  }
0x8c: {  	s17 =	sshll.u32 s0, $0xA;
	s2 =	sadd.s32 s3, s2  }
0x8d: {  	s2 =	sadd.s32 s2, s17  }
0x8e: {  	[smem:$0x3FC6] =	sst s2  }
0x8f: {  	_ = 	snop  }
0x90: {  	s2 =	sld [smem:$0x3FD0];
	(tm) =	ssettm $0x1  }
0x91: {  	s18 =	sld [smem:$0x3FFB];
	_ =	sdelay $0x3  }
0x92: {  	_ =	strace s18  }
0x93: {  	s3 =	sld [smem:$0x3FFC];
	_ =	sdelay $0x3  }
0x94: {  	_ =	strace s3  }
0x95: {  	s3 =	sld [smem:$0x3FFD];
	_ =	sdelay $0x3  }
0x96: {  	_ =	strace s3  }
0x97: {  	_ =	strace $0x8FFFFFFF  }
0x98: {  	s19 =	sld [smem:$0x3FDB];
	_ =	sdelay $0x1  }
0x99: {  	s4 =	simm.s32 $_scs_section_size  }
0x9a: {  	s5 =	simm.s32 $_size__tile_overlayer_lowered;
	s6 =	simm.s32 $_tile_overlayer_lowered  }
0x9b: {  	s22 =	simm.s32 $0x1BFF;
	s21 =	sshll.u32 s6, $0x1;
	s3 =	sadd.s32 s4, s19  }
0x9c: {  	s7 =	simm.s32 $0x0;
	s20 =	sshll.u32 s5, $0x1;
	s5 =	sadd.s32 s21, s3  }
0x9d: {  	[timem:s7], [sflag:s22] =	dma.local [hbm:s5], s20  }
0x9e: {  	_ =	swait.ge [sflag:s22], s20  }
0x9f: {  	s4 =	ssub.s32 $0x0, s20;
	[sflag:s22] =	ssyncset.done $0x0  }
0xa0: {  	[sflag:s22] =	ssyncadd.s32 s4;
	_ =	sdelay $0x1  }
0xa1: {  	s23 =	simm.s32 $0x1B8B  }
0xa2: {  	_ =	swait.ge [sflag:s23], $0x1  }
0xa3: {  	[sflag:s23] =	ssyncset.done $0x0  }
0xa4: {  	s25 =	simm.s32 $0x1B8E;
	s24 =	sld [smem:$0x3FFE];
	[sflag:s23] =	ssyncadd.s32 $0xFFFFFFFF  }
0xa5: {  	s26 =	simm.s32 $execute0_lowered;
	[smem:$0x3FD2] =	sst s25  }
0xa6: {  	s5 =	sshll.u32 s26, $0x1;
	_ =	strace $0x80000046;
	[dreg:$0x1] =	wrdreg $0xFFFFFFFF  }
0xa7: {  	s28 =	simm.s32 $_size_execute0_lowered;
	s3 =	sadd.s32 s3, s5;
	[dreg:$0x0] =	wrdreg $0x0  }
0xa8: {  	s5 =	sshll.u32 s28, $0x1;
	[dreg:$0x2] =	wrdreg s3  }
0xa9: {  	[dreg:$0x3] =	wrdreg s5  }
0xaa: {  	[dreg:$0x4] =	wrdreg $0xC0  }
0xab: {  	_ =	task [dreg:s7], $0x5FFFF  }
0xac: {  	[dreg:$0x1] =	wrdreg $0xFFFFFFFF  }
0xad: {  	[dreg:$0x0] =	wrdreg $0x60  }
0xae: {  	[dreg:$0x2] =	wrdreg s24  }
0xaf: {  	[dreg:$0x3] =	wrdreg s2  }
0xb0: {  	[dreg:$0x4] =	wrdreg $0x9  }
0xb1: {  	_ =	task.clear_ibuf [dreg:s7], $0x5FFFF;
	_ =	strace $0x90000046  }
0xb2: {  	s29 =	simm.s32 $0x9;
	_ =	strace $0x80000048  }
0xb3: {  	_ =	swait.ge [sflag:s29], $0x1  }
0xb4: {  	[sflag:s29] =	ssyncadd.s32 $0xFFFFFFFF  }
0xb5: {  	_ =	strace $0x90000048  }
0xb6: {  	_ =	sfence  }
0xb7: {  	s30 =	sld [smem:$0x0];
	_ =	sdelay $0x2  }
0xb8: {  	s31 =	sshll.u32 s1, $0xD;
	s1 =	sshrl.u32 s1, $0x2  }
0xb9: {  	s3 =	sand.u32 $0x4000, s31;
	s1 =	sadd.s32 s1, s30  }
0xba: {  	s0 =	sor.u32 s3, s0;
	s1 =	sshll.u32 s1, $0x11  }
0xbb: {  	s0 =	sor.u32 s1, s0  }
0xbc: {  	s0 =	sadd.s32 $0x8F2B, s0  }
0xbd: {  	[sflag:s0] =	ssyncadd.remote.s32 $0x1  }
0xbe: {  	_ =	sfence.sel $0xFFFF  }
0xbf: {  	[dreg:$0x0] =	wrdreg $0xFFFFFFFF;
	(pc) =	sbr.abs _section_cstart, $3  }
0xc0: {  	[dreg:$0x1] =	wrdreg $0xFFFFFFFF  }
0xc1: {  	_ =	task.clear_ibuf [dreg:s7], $0x2FFFF;
	_ =	strace $0x9FFFFFFF  }
0xc2: {  	(tm) =	ssettm $0x7FFFFFFF  }
0xc3: {  	_ =	shalt  }
tec
execute0_lowered:
.L_overlay_start_1:
0x0: {  	(tag) =	ssettag $0x1  }
0x1: {  	s1 =	srdreg.scid  }
0x2: {  	s0 =	stileid.u32;
	s3 =	rddreg [dreg:$0x0]  }
0x3: {  	s5 =	rddreg [dreg:$0x1];
	s2 =	simm.s32 $0x0;
	s9 =	simm.s32 $0x1  }
0x4: {  	s10 =	simm.s32 $0x1280;
	s11 =	simm.s32 $0x1580;
	s12 =	simm.s32 $0x0  }
0x5: {  	s4 =	sand.u32 $0x1, s1;
	s31 =	sshll.u32 s0, $0x1;
	s1 =	rddreg [dreg:$0x2]  }
0x6: {  	v0 =	vlaneseq.u32;
	[smem:$0x7FF] =	sst s2;
	s6 =	sor.u32 s4, s31;
	s4 =	ssub.s32 $0x2, s4  }
0x7: {  	v1 =	vmul.u32 $0x3, v0;
	s7 =	smul.u32 $0x240, s6;
	s8 =	sshrl.u32 s4, $0x1;
	s6 =	sshll.u32 s6, $0x6  }
0x8: {  	_ =	strace $0x80000047;
	s8 =	ssub.s32 s4, s8;
	s5 =	sadd.s32 s5, s6  }
0x9: {  	v7 =	vimm.s32 $0x0;
	v2 =	vadd.s32 $0x30, v1;
	v3 =	vadd.s32 $0x1, v1;
	s7 =	sadd.s32 s7, s3;
	s3 =	sadd.s32 $0x4E00, s3;
	s6 =	smax.u32 s8, $0x1  }
0xa: {  	v4 =	vadd.s32 $0x31, v1;
	v5 =	vadd.s32 $0x2, v1;
	v6 =	vadd.s32 $0x32, v1;
	s8 =	simm.s32 $0x2;
	s4 =	sadd.s32 $0x600, s7;
	s7 =	simm.s32 $0x1200  }
.LBB2_1:
0xb: {  	[tilespmem:s2], [sflag:$0x1] =	stream.linear.gather [hbm4b:s4+s2], $0x1200, $0x38;
	[tilespmem:$0x1780] =	vst v63  }
0xc: {  	_ = 	snop  }
0xd: {  	[tilespmem:s7], [sflag:$0x2] =	stream.linear.gather [hbm4b:s3+s2], $0x3F, $0x38;
	[tilespmem:$0x1780] =	vst v63  }
0xe: {  	_ =	swait.ge [sflag:s8], $0x3F  }
0xf: {  	[sflag:s8] =	ssyncset.done $0x0  }
0x10: {  	[sflag:s8] =	ssyncadd.s32 $0xFFFFFFC1  }
0x11: {  	v10 =	vld.idx.msk [tilespmem:v1+s7+$0x0], $0xffff  }
0x12: {  	v9 =	vld.idx.msk [tilespmem:v5+s7+$0x0], $0xffff  }
0x13: {  	v8 =	vld.idx.msk [tilespmem:v6+s7+$0x0], $0xffff  }
0x14: {  	v11 =	vld.idx.msk [tilespmem:v2+s7+$0x0], $0xffff  }
0x15: {  	s13 =	simm.s32 $0xFFFFFFF0;
	p0 =	por $0x1, $0x1;
	v13 =	vld.idx.msk [tilespmem:v3+s7+$0x0], $0xffff  }
0x16: {  	s14 =	simm.s32 $0x1;
	s15 =	simm.s32 $0xFFFFFFF1;
	s13 =	smin.u32 s2, s13;
	v12 =	vld.idx.msk [tilespmem:v4+s7+$0x0], $0xffff  }
0x17: {  	s15 =	smov.u32 @p0 s14;
	v14 =	vmov s13  }
0x18: {  	v17 =	vmov s15;
	v15 =	vperm.xlane v9, v14;
	v16 =	vperm.xlane v8, v14  }
0x19: {  	v18 =	vperm.xlane v9, v17;
	v19 =	vperm.xlane v8, v17  }
0x1a: {  	v20 =	vperm.xlane v10, v14;
	v21 =	vperm.xlane v11, v14  }
0x1b: {  	v22 =	vperm.xlane v13, v14;
	v14 =	vperm.xlane v12, v14  }
0x1c: {  	p1 =	por $0x1, $0x1;
	v23 =	vperm.xlane v10, v17;
	v24 =	vperm.xlane v11, v17  }
0x1d: {  	v25 =	vperm.xlane v13, v17;
	v17 =	vperm.xlane v12, v17;
	v15 =	vpsel p1, v15, v16  }
0x1e: {  	v16 =	vpsel p1, v20, v21;
	v18 =	vpsel p0, v18, v19;
	v19 =	vsub.f32 v15, v8  }
0x1f: {  	v14 =	vpsel p1, v22, v14;
	v20 =	vsub.f32 v18, v8;
	v15 =	vsub.f32 v15, v9  }
0x20: {  	v21 =	vpsel p0, v23, v24;
	v18 =	vsub.f32 v18, v9;
	v22 =	vsub.f32 v16, v11  }
0x21: {  	v17 =	vpsel p0, v25, v17;
	v23 =	vsub.f32 v14, v12;
	v24 =	vsub.f32 v21, v11  }
0x22: {  	v16 =	vsub.f32 v16, v10;
	v25 =	vsub.f32 v17, v12;
	v19 =	vmul.f32 v19, v19  }
0x23: {  	v14 =	vsub.f32 v14, v13;
	v22 =	vmul.f32 v22, v22;
	v23 =	vmul.f32 v23, v23  }
0x24: {  	v21 =	vsub.f32 v21, v10;
	v24 =	vmul.f32 v24, v24;
	v25 =	vmul.f32 v25, v25  }
0x25: {  	v16 =	vmul.f32 v16, v16;
	v14 =	vmul.f32 v14, v14;
	v22 =	vadd.f32 v23, v22  }
0x26: {  	v17 =	vsub.f32 v17, v13;
	v20 =	vmul.f32 v20, v20;
	v23 =	vadd.f32 v25, v24  }
0x27: {  	v15 =	vmul.f32 v15, v15;
	v14 =	vadd.f32 v14, v16;
	v16 =	vadd.f32 v19, v22  }
0x28: {  	v17 =	vmul.f32 v17, v17;
	v19 =	vmul.f32 v21, v21;
	v20 =	vadd.f32 v20, v23  }
0x29: {  	v14 =	vadd.f32 v15, v14;
	v21 =	vadd.f32 $9.999999960e-13, v16  }
0x2a: {  	v15 =	vadd.f32 v17, v19;
	v16 =	vmul.f32 v18, v18;
	v18 =	vadd.f32 $9.999999960e-13, v20  }
0x2b: {  	v19 =	vadd.f32 $9.999999960e-13, v14  }
0x2c: {  	s14 =	simm.s32 $0xFFFFFFF2;
	s13 =	simm.s32 $0x2;
	p0 =	por $0x1, $0x1;
	v14 =	vshrl.u32 v21, $0x1;
	v15 =	vadd.f32 v16, v15;
	v16 =	vshrl.u32 v18, $0x1  }
0x2d: {  	s14 =	smov.u32 @p0 s13;
	v14 =	vadd.s32 $0x1FBD1DF5, v14;
	v16 =	vadd.s32 $0x1FBD1DF5, v16  }
0x2e: {  	(erf) = vrcp.f32 v14;
	v20 =	vadd.f32 $9.999999960e-13, v15;
	v15 =	vmov s14  }
0x2f: {  	v17 =	vshrl.u32 v19, $0x1;
	(erf) = vrcp.f32 v16;
	v23 =	vperm.xlane v10, v15  }
0x30: {  	v17 =	vadd.s32 $0x1FBD1DF5, v17;
	v53 =	vperm.xlane v11, v15;
	v54 =	vperm.xlane v13, v15  }
0x31: {  	v26 =	vperm.xlane v12, v15;
	v27 =	vperm.xlane v9, v15;
	v22 =	vshrl.u32 v20, $0x1  }
0x32: {  	(erf) = vrcp.f32 v17;
	v22 =	vadd.s32 $0x1FBD1DF5, v22;
	v23 =	vpsel p0, v23, v53  }
0x33: {  	v55 =	vpsel p0, v54, v26;
	(erf) = vrcp.f32 v22;
	v56 =	vsub.f32 v23, v10  }
0x34: {  	v15 =	vperm.xlane v8, v15;
	v23 =	vsub.f32 v23, v11;
	v24 =	vsub.f32 v55, v12  }
0x35: {  	v26 =	vsub.f32 v55, v13  }
0x36: {  	v15 =	vpsel p0, v27, v15;
	v23 =	vmul.f32 v23, v23;
	v24 =	vmul.f32 v24, v24  }
0x37: {  	v27 =	vsub.f32 v15, v9;
	v25 =	vmul.f32 v56, v56;
	v26 =	vmul.f32 v26, v26  }
0x38: {  	v15 =	vsub.f32 v15, v8;
	v23 =	vadd.f32 v24, v23  }
0x39: {  	v57 =	vmul.f32 v27, v27;
	v25 =	vadd.f32 v26, v25;
	v28 =	vpop (erf)  }
0x3a: {  	v15 =	vmul.f32 v15, v15;
	v58 =	vpop (erf);
	v28 =	vmul.f32 v28, v21  }
0x3b: {  	v25 =	vadd.f32 v57, v25;
	v59 =	vpop (erf)  }
0x3c: {  	v15 =	vadd.f32 v15, v23;
	v60 =	vmul.f32 v58, v18;
	v14 =	vadd.f32 v14, v28;
	v23 =	vpop (erf)  }
0x3d: {  	v24 =	vmul.f32 v59, v19;
	v25 =	vadd.f32 $9.999999960e-13, v25;
	v23 =	vmul.f32 v23, v20  }
0x3e: {  	v26 =	vadd.f32 $9.999999960e-13, v15;
	v61 =	vmul.f32 $5.000000000e-01, v14;
	v14 =	vadd.f32 v16, v60  }
0x3f: {  	v15 =	vadd.f32 v17, v24;
	v17 =	vshrl.u32 v25, $0x1;
	v16 =	vadd.f32 v22, v23  }
0x40: {  	v22 =	vadd.s32 $0x1FBD1DF5, v17;
	v17 =	vshrl.u32 v26, $0x1;
	(erf) = vrcp.f32 v61  }
0x41: {  	s30 =	simm.s32 $0x3;
	s31 =	simm.s32 $0xFFFFFFF3;
	v23 =	vmul.f32 $5.000000000e-01, v14;
	v62 =	vadd.s32 $0x1FBD1DF5, v17;
	(erf) = vrcp.f32 v22  }
0x42: {  	s13 =	smin.u32 s30, s31;
	v63 =	vmul.f32 $5.000000000e-01, v15;
	(erf) = vrcp.f32 v62  }
0x43: {  	v14 =	vmov s13;
	v29 =	vmul.f32 $5.000000000e-01, v16;
	(erf) = vrcp.f32 v23  }
0x44: {  	v17 =	vperm.xlane v8, v14;
	(erf) = vrcp.f32 v63  }
0x45: {  	s14 =	simm.s32 $0xFFFFFFF4;
	p0 =	por $0x1, $0x1;
	s13 =	simm.s32 $0x4;
	v32 =	vperm.xlane v10, v14;
	(erf) = vrcp.f32 v29  }
0x46: {  	s14 =	smov.u32 @p0 s13;
	v33 =	vperm.xlane v11, v14;
	v34 =	vperm.xlane v13, v14  }
0x47: {  	v16 =	vperm.xlane v9, v14;
	v15 =	vmov s14;
	v14 =	vperm.xlane v12, v14  }
0x48: {  	v30 =	vperm.xlane v9, v15;
	v31 =	vperm.xlane v8, v15  }
0x49: {  	v35 =	vperm.xlane v10, v15;
	v36 =	vperm.xlane v11, v15;
	v37 =	vpop (erf)  }
0x4a: {  	p6 =	por $0x1, $0x1;
	v38 =	vperm.xlane v13, v15;
	v39 =	vperm.xlane v12, v15;
	v41 =	vpop (erf)  }
0x4b: {  	v15 =	vpsel p6, v32, v33;
	v42 =	vpsel p6, v16, v17;
	v17 =	vpsel p6, v34, v14;
	v44 =	vpop (erf)  }
0x4c: {  	v30 =	vpsel p0, v30, v31;
	v21 =	vmul.f32 v37, v21;
	v43 =	vmul.f32 v41, v25;
	v45 =	vpop (erf)  }
0x4d: {  	v16 =	vpsel p0, v35, v36;
	v14 =	vpsel p0, v38, v39;
	v32 =	vmul.f32 v44, v26;
	v46 =	vpop (erf)  }
0x4e: {  	v21 =	vadd.f32 v21, v61;
	v22 =	vadd.f32 v22, v43;
	v18 =	vmul.f32 v45, v18;
	v47 =	vpop (erf)  }
0x4f: {  	v19 =	vmul.f32 v46, v19;
	v24 =	vadd.f32 v62, v32;
	v20 =	vmul.f32 v47, v20  }
0x50: {  	v48 =	vmul.f32 $5.000000000e-01, v22;
	v18 =	vadd.f32 v18, v23;
	v22 =	vmul.f32 $5.000000000e-01, v21  }
0x51: {  	v21 =	vsub.f32 v42, v8;
	v19 =	vadd.f32 v19, v63;
	v49 =	vmul.f32 $5.000000000e-01, v24  }
0x52: {  	(erf) = vrcp.f32 v48;
	v23 =	vadd.f32 v20, v29;
	v50 =	vmul.f32 $5.000000000e-01, v18  }
0x53: {  	v22 =	vmul.f32 $-1.000000000e+01, v22;
	v20 =	vsub.f32 v42, v9;
	v21 =	vmul.f32 v21, v21  }
0x54: {  	v18 =	vmul.f32 $5.000000000e-01, v19;
	v19 =	vsub.f32 v30, v8;
	(erf) = vrcp.f32 v49  }
0x55: {  	v23 =	vmul.f32 $5.000000000e-01, v23;
	v24 =	vmul.f32 $-1.000000000e+01, v50;
	v22 =	vmax.f32 v22, $-6.000000000e+01  }
0x56: {  	v51 =	vmul.f32 $-1.000000000e+01, v18;
	v18 =	vsub.f32 v30, v9;
	v52 =	vmul.f32 $1.442695020e+00, v22  }
0x57: {  	v22 =	vsub.f32 v15, v11;
	v15 =	vsub.f32 v15, v10;
	v19 =	vmul.f32 v19, v19  }
0x58: {  	v23 =	vmul.f32 $-1.000000000e+01, v23;
	v24 =	vmax.f32 v24, $-6.000000000e+01;
	v29 =	vmax.f32 v51, $-6.000000000e+01  }
0x59: {  	v54 =	vmul.f32 $1.442695020e+00, v24;
	v55 =	vtrunc.f32 v52;
	v24 =	vsub.f32 v16, v11  }
0x5a: {  	v22 =	vmul.f32 v22, v22;
	v16 =	vsub.f32 v16, v10;
	v15 =	vmul.f32 v15, v15  }
0x5b: {  	v29 =	vmul.f32 $1.442695020e+00, v29;
	v53 =	vmax.f32 v23, $-6.000000000e+01;
	v23 =	vsub.f32 v17, v12  }
0x5c: {  	v58 =	vcvt.f32.s32 v55;
	vm0 =	vlt.f32 v52, v55;
	v31 =	vmul.f32 $1.442695020e+00, v53  }
0x5d: {  	v17 =	vsub.f32 v17, v13;
	v57 =	vtrunc.f32 v54;
	v24 =	vmul.f32 v24, v24  }
0x5e: {  	v41 =	vsel vm0, $0xFFFFFFFF, v7;
	v16 =	vmul.f32 v16, v16;
	v56 =	vtrunc.f32 v29  }
0x5f: {  	v61 =	vcvt.f32.s32 v57;
	vm1 =	vlt.f32 v54, v57;
	v23 =	vmul.f32 v23, v23  }
0x60: {  	v33 =	vadd.s32 v58, v41;
	v17 =	vmul.f32 v17, v17;
	v60 =	vtrunc.f32 v31  }
0x61: {  	v59 =	vpop (erf);
	v63 =	vcvt.f32.s32 v56;
	vm2 =	vlt.f32 v29, v56;
	v42 =	vsel vm1, $0xFFFFFFFF, v7  }
0x62: {  	v45 =	vshll.u32 v33, $0x17;
	v33 =	vcvt.s32.f32 v33;
	v25 =	vmul.f32 v59, v25  }
0x63: {  	v40 =	vcvt.f32.s32 v60;
	vm3 =	vlt.f32 v31, v60;
	v43 =	vsel vm2, $0xFFFFFFFF, v7  }
0x64: {  	v62 =	vpop (erf);
	v34 =	vadd.s32 v61, v42;
	v59 =	vadd.s32 $0x3F800000, v45;
	v22 =	vadd.f32 v23, v22  }
0x65: {  	v15 =	vadd.f32 v17, v15;
	v17 =	vmul.f32 v20, v20;
	v26 =	vmul.f32 v62, v26  }
0x66: {  	v44 =	vsel vm3, $0xFFFFFFFF, v7;
	v28 =	vadd.s32 v63, v43;
	v46 =	vshll.u32 v34, $0x17  }
0x67: {  	v34 =	vcvt.s32.f32 v34;
	v30 =	vsub.f32 v52, v33;
	v63 =	vsub.f32 v14, v12  }
0x68: {  	v14 =	vsub.f32 v14, v13;
	v25 =	vadd.f32 v25, v48;
	v27 =	vadd.s32 v40, v44  }
0x69: {  	v47 =	vcvt.s32.f32 v28;
	v28 =	vshll.u32 v28, $0x17;
	v61 =	vadd.s32 $0x3F800000, v46  }
0x6a: {  	v20 =	vadd.f32 v21, v22;
	v15 =	vadd.f32 v17, v15;
	v17 =	vmul.f32 v18, v18  }
0x6b: {  	v26 =	vadd.f32 v26, v49;
	v48 =	vcvt.s32.f32 v27;
	v32 =	vsub.f32 v54, v34  }
0x6c: {  	v30 =	vmul.f32 $6.931471820e-01, v30;
	v27 =	vshll.u32 v27, $0x17;
	v25 =	vmul.f32 $5.000000000e-01, v25  }
0x6d: {  	v14 =	vmul.f32 v14, v14;
	v29 =	vsub.f32 v29, v47;
	v26 =	vmul.f32 $5.000000000e-01, v26  }
0x6e: {  	v31 =	vsub.f32 v31, v48;
	v32 =	vmul.f32 $6.931471820e-01, v32;
	v25 =	vmul.f32 $-1.000000000e+01, v25  }
0x6f: {  	v28 =	vadd.s32 $0x3F800000, v28;
	v54 =	vmul.f32 $1.388888920e-03, v30;
	v29 =	vmul.f32 $6.931471820e-01, v29  }
0x70: {  	v26 =	vmul.f32 $-1.000000000e+01, v26;
	v31 =	vmul.f32 $6.931471820e-01, v31;
	v25 =	vmax.f32 v25, $-6.000000000e+01  }
0x71: {  	v27 =	vadd.s32 $0x3F800000, v27;
	v55 =	vmul.f32 $1.388888920e-03, v32;
	v25 =	vmul.f32 $1.442695020e+00, v25  }
0x72: {  	v56 =	vmul.f32 $1.388888920e-03, v29;
	v26 =	vmax.f32 v26, $-6.000000000e+01;
	v40 =	vmul.f32 $1.388888920e-03, v31  }
0x73: {  	v14 =	vadd.f32 v14, v16;
	v26 =	vmul.f32 $1.442695020e+00, v26;
	v49 =	vtrunc.f32 v25  }
0x74: {  	v38 =	vadd.f32 $8.333333770e-03, v55;
	vm0 =	vlt.f32 v25, v49;
	v33 =	vcvt.f32.s32 v49  }
0x75: {  	v39 =	vadd.f32 $8.333333770e-03, v56;
	v50 =	vtrunc.f32 v26;
	v51 =	vsel vm0, $0xFFFFFFFF, v7  }
0x76: {  	v52 =	vcvt.f32.s32 v50;
	vm0 =	vlt.f32 v26, v50;
	v33 =	vadd.s32 v33, v51  }
0x77: {  	v40 =	vadd.f32 $8.333333770e-03, v40;
	v34 =	vsel vm0, $0xFFFFFFFF, v7;
	v37 =	vcvt.s32.f32 v33  }
0x78: {  	v38 =	vmul.f32 v38, v32;
	v39 =	vmul.f32 v39, v29;
	v34 =	vadd.s32 v52, v34  }
0x79: {  	v40 =	vmul.f32 v40, v31;
	v53 =	vcvt.s32.f32 v34;
	v25 =	vsub.f32 v25, v37  }
0x7a: {  	v38 =	vadd.f32 $4.166666790e-02, v38;
	v39 =	vadd.f32 $4.166666790e-02, v39;
	vm0 =	veq.s32 v0, $0x0  }
0x7b: {  	v40 =	vadd.f32 $4.166666790e-02, v40;
	v26 =	vsub.f32 v26, v53;
	v25 =	vmul.f32 $6.931471820e-01, v25  }
0x7c: {  	v38 =	vmul.f32 v38, v32;
	v33 =	vshll.u32 v33, $0x17;
	v39 =	vmul.f32 v39, v29  }
0x7d: {  	v34 =	vshll.u32 v34, $0x17;
	v26 =	vmul.f32 $6.931471820e-01, v26;
	v41 =	vmul.f32 $1.388888920e-03, v25  }
0x7e: {  	v58 =	vadd.s32 $0x3F800000, v33;
	v34 =	vadd.s32 $0x3F800000, v34;
	v37 =	vadd.f32 $8.333333770e-03, v54  }
0x7f: {  	v40 =	vmul.f32 v40, v31;
	v42 =	vmul.f32 $1.388888920e-03, v26;
	v41 =	vadd.f32 $8.333333770e-03, v41  }
0x80: {  	v38 =	vadd.f32 $1.666666720e-01, v38;
	v39 =	vadd.f32 $1.666666720e-01, v39;
	v37 =	vmul.f32 v37, v30  }
0x81: {  	v40 =	vadd.f32 $1.666666720e-01, v40;
	v42 =	vadd.f32 $8.333333770e-03, v42;
	v41 =	vmul.f32 v41, v25  }
0x82: {  	v38 =	vmul.f32 v38, v32;
	v39 =	vmul.f32 v39, v29;
	v37 =	vadd.f32 $4.166666790e-02, v37  }
0x83: {  	v40 =	vmul.f32 v40, v31;
	v42 =	vmul.f32 v42, v26;
	v41 =	vadd.f32 $4.166666790e-02, v41  }
0x84: {  	v38 =	vadd.f32 $5.000000000e-01, v38;
	v39 =	vadd.f32 $5.000000000e-01, v39;
	v37 =	vmul.f32 v37, v30  }
0x85: {  	v40 =	vadd.f32 $5.000000000e-01, v40;
	v42 =	vadd.f32 $4.166666790e-02, v42;
	v41 =	vmul.f32 v41, v25  }
0x86: {  	v38 =	vmul.f32 v38, v32;
	v39 =	vmul.f32 v39, v29;
	v37 =	vadd.f32 $1.666666720e-01, v37  }
0x87: {  	v40 =	vmul.f32 v40, v31;
	v42 =	vmul.f32 v42, v26;
	v41 =	vadd.f32 $1.666666720e-01, v41  }
0x88: {  	v38 =	vadd.f32 $1.000000000e+00, v38;
	v39 =	vadd.f32 $1.000000000e+00, v39;
	v37 =	vmul.f32 v37, v30  }
0x89: {  	v40 =	vadd.f32 $1.000000000e+00, v40;
	v42 =	vadd.f32 $1.666666720e-01, v42;
	v41 =	vmul.f32 v41, v25  }
0x8a: {  	v32 =	vmul.f32 v38, v32;
	v29 =	vmul.f32 v39, v29;
	v37 =	vadd.f32 $5.000000000e-01, v37  }
0x8b: {  	v31 =	vmul.f32 v40, v31;
	v42 =	vmul.f32 v42, v26;
	v41 =	vadd.f32 $5.000000000e-01, v41  }
0x8c: {  	v62 =	vadd.f32 $1.000000000e+00, v32;
	v32 =	vmul.f32 v63, v63;
	v29 =	vadd.f32 $1.000000000e+00, v29  }
0x8d: {  	v37 =	vmul.f32 v37, v30;
	v42 =	vadd.f32 $5.000000000e-01, v42;
	v41 =	vmul.f32 v41, v25  }
0x8e: {  	v31 =	vadd.f32 $1.000000000e+00, v31;
	v23 =	vadd.f32 v32, v24;
	v28 =	vmul.f32 v28, v29  }
0x8f: {  	v37 =	vadd.f32 $1.000000000e+00, v37;
	v42 =	vmul.f32 v42, v26;
	v41 =	vadd.f32 $1.000000000e+00, v41  }
0x90: {  	v27 =	vmul.f32 v27, v31;
	v21 =	vadd.f32 v19, v23;
	v19 =	vadd.f32 $9.999999960e-13, v20  }
0x91: {  	v30 =	vmul.f32 v37, v30;
	v57 =	vadd.f32 $1.000000000e+00, v42;
	v25 =	vmul.f32 v41, v25  }
0x92: {  	v22 =	vmul.f32 v61, v62;
	v28 =	vadd.f32 $1.000000050e-03, v28;
	v27 =	vadd.f32 $1.000000050e-03, v27  }
0x93: {  	v60 =	vadd.f32 $1.000000000e+00, v30;
	v26 =	vmul.f32 v57, v26;
	v25 =	vadd.f32 $1.000000000e+00, v25  }
0x94: {  	v18 =	vadd.f32 $9.999999960e-13, v21;
	v21 =	vadd.f32 $1.000000050e-03, v22;
	v28 =	vsel vm0, $0x0, v28  }
0x95: {  	s13 =	simm.s32 $0x12B0;
	v29 =	vmul.f32 v59, v60;
	v26 =	vadd.f32 $1.000000000e+00, v26;
	v25 =	vmul.f32 v58, v25  }
0x96: {  	v20 =	vadd.f32 $9.999999960e-13, v15;
	v15 =	vshrl.u32 v19, $0x1;
	v27 =	vsel vm0, $0x0, v27;
	[tilespmem:s13+$0xFFFFFFD0] =	vst v28  }
0x97: {  	[tilespmem:s13+$0x0] =	vst v21;
	v29 =	vadd.f32 $1.000000050e-03, v29;
	v26 =	vmul.f32 v34, v26;
	v25 =	vadd.f32 $1.000000050e-03, v25  }
0x98: {  	v17 =	vadd.f32 v17, v14;
	v16 =	vadd.s32 $0x1FBD1DF5, v15;
	[tilespmem:s13+$0xFFFFFFF0] =	vst v27  }
0x99: {  	v14 =	vshrl.u32 v18, $0x1;
	[tilespmem:s13+$0xFFFFFFE0] =	vst v29;
	v26 =	vadd.f32 $1.000000050e-03, v26;
	v25 =	vsel vm0, $0x0, v25  }
0x9a: {  	s15 =	simm.s32 $0xFFFFFFF5;
	p1 =	por $0x1, $0x1;
	s14 =	simm.s32 $0x5;
	v15 =	vshrl.u32 v20, $0x1;
	(erf) = vrcp.f32 v16;
	v14 =	vadd.s32 $0x1FBD1DF5, v14;
	[tilespmem:s13+$0x10] =	vst v25  }
0x9b: {  	s15 =	smov.u32 @p1 s14;
	s14 =	simm.s32 $0x6;
	v15 =	vadd.s32 $0x1FBD1DF5, v15;
	v21 =	vadd.f32 $9.999999960e-13, v17;
	(erf) = vrcp.f32 v14;
	[tilespmem:s13+$0x20] =	vst v26  }
.LBB2_2:
0x9c: {  	p0 =	slt.u32 s14, $0x12;
	v17 =	vmov s15;
	(erf) = vrcp.f32 v15  }
0x9d: {  	v22 =	vshrl.u32 v21, $0x1;
	v23 =	vperm.xlane v10, v17;
	v24 =	vperm.xlane v11, v17  }
0x9e: {  	v25 =	vperm.xlane v13, v17;
	v26 =	vperm.xlane v12, v17;
	v22 =	vadd.s32 $0x1FBD1DF5, v22  }
0x9f: {  	v27 =	vperm.xlane v9, v17;
	(erf) = vrcp.f32 v22  }
0xa0: {  	v17 =	vperm.xlane v8, v17;
	v23 =	vpsel p1, v23, v24;
	v24 =	vpsel p1, v25, v26  }
0xa1: {  	v25 =	vsub.f32 v23, v10;
	v26 =	vsub.f32 v24, v13  }
0xa2: {  	v17 =	vpsel p1, v27, v17;
	v23 =	vsub.f32 v23, v11;
	v24 =	vsub.f32 v24, v12  }
0xa3: {  	s15 =	sadd.s32 $0xFFFFFFF0, s14;
	v31 =	vsub.f32 v17, v9;
	v25 =	vmul.f32 v25, v25;
	v26 =	vmul.f32 v26, v26;
	v28 =	vpop (erf)  }
0xa4: {  	s15 =	smin.u32 s14, s15;
	v17 =	vsub.f32 v17, v8;
	v23 =	vmul.f32 v23, v23;
	v24 =	vmul.f32 v24, v24;
	v29 =	vpop (erf)  }
0xa5: {  	v30 =	vmov s15;
	v25 =	vadd.f32 v26, v25;
	v26 =	vmul.f32 v31, v31;
	v27 =	vpop (erf)  }
0xa6: {  	v17 =	vmul.f32 v17, v17;
	v28 =	vmul.f32 v28, v19;
	v32 =	vadd.f32 v24, v23  }
0xa7: {  	v24 =	vperm.xlane v9, v30;
	v31 =	vperm.xlane v8, v30;
	v25 =	vadd.f32 v26, v25  }
0xa8: {  	v16 =	vadd.f32 v16, v28;
	v26 =	vmul.f32 v29, v18;
	v17 =	vadd.f32 v17, v32;
	v23 =	vpop (erf)  }
0xa9: {  	v27 =	vmul.f32 v27, v20;
	v25 =	vadd.f32 $9.999999960e-13, v25;
	v23 =	vmul.f32 v23, v21  }
0xaa: {  	v28 =	vmul.f32 $5.000000000e-01, v16;
	v14 =	vadd.f32 v14, v26;
	v26 =	vadd.f32 $9.999999960e-13, v17  }
0xab: {  	v15 =	vadd.f32 v15, v27;
	v17 =	vshrl.u32 v25, $0x1;
	v16 =	vadd.f32 v22, v23  }
0xac: {  	v22 =	vadd.s32 $0x1FBD1DF5, v17;
	v17 =	vshrl.u32 v26, $0x1;
	(erf) = vrcp.f32 v28  }
0xad: {  	s16 =	sadd.s32 $0xFFFFFFF1, s14;
	s15 =	sadd.s32 $0x1, s14;
	p1 =	slt.u32 s14, $0xF;
	v23 =	vmul.f32 $5.000000000e-01, v14;
	v27 =	vadd.s32 $0x1FBD1DF5, v17;
	(erf) = vrcp.f32 v22  }
0xae: {  	s16 =	smov.u32 @p1 s15;
	v29 =	vmul.f32 $5.000000000e-01, v15;
	(erf) = vrcp.f32 v27  }
0xaf: {  	v14 =	vmov s16;
	v32 =	vmul.f32 $5.000000000e-01, v16;
	(erf) = vrcp.f32 v23  }
0xb0: {  	v15 =	vperm.xlane v9, v14;
	(erf) = vrcp.f32 v29  }
0xb1: {  	v17 =	vperm.xlane v8, v14;
	(erf) = vrcp.f32 v32  }
0xb2: {  	v33 =	vperm.xlane v11, v30;
	v16 =	vperm.xlane v10, v30  }
0xb3: {  	v34 =	vperm.xlane v13, v30;
	v30 =	vperm.xlane v12, v30  }
0xb4: {  	v35 =	vperm.xlane v10, v14;
	v36 =	vperm.xlane v11, v14  }
0xb5: {  	p2 =	slt.u32 s14, $0x10;
	v37 =	vperm.xlane v13, v14;
	v14 =	vperm.xlane v12, v14;
	v38 =	vpop (erf)  }
0xb6: {  	v24 =	vpsel p2, v24, v31;
	v31 =	vpsel p1, v15, v17;
	v16 =	vpsel p2, v16, v33;
	v33 =	vpop (erf)  }
0xb7: {  	v15 =	vpsel p1, v35, v36;
	v17 =	vpsel p2, v34, v30;
	v36 =	vmul.f32 v33, v25;
	v33 =	vpop (erf)  }
0xb8: {  	v14 =	vpsel p1, v37, v14;
	v34 =	vmul.f32 v38, v19;
	v33 =	vmul.f32 v33, v26;
	v35 =	vpop (erf)  }
0xb9: {  	v19 =	vsub.f32 v24, v8;
	v18 =	vmul.f32 v35, v18;
	v22 =	vadd.f32 v22, v36;
	v30 =	vpop (erf)  }
0xba: {  	v28 =	vadd.f32 v34, v28;
	v20 =	vmul.f32 v30, v20;
	v27 =	vadd.f32 v27, v33;
	v30 =	vpop (erf)  }
0xbb: {  	v21 =	vmul.f32 v30, v21;
	v18 =	vadd.f32 v18, v23;
	v30 =	vmul.f32 $5.000000000e-01, v22  }
0xbc: {  	v22 =	vmul.f32 $5.000000000e-01, v28;
	v20 =	vadd.f32 v20, v29;
	v27 =	vmul.f32 $5.000000000e-01, v27  }
0xbd: {  	v23 =	vadd.f32 v21, v32;
	v28 =	vmul.f32 $5.000000000e-01, v18;
	(erf) = vrcp.f32 v30  }
0xbe: {  	v21 =	vsub.f32 v31, v8;
	v29 =	vmul.f32 $5.000000000e-01, v20;
	(erf) = vrcp.f32 v27  }
0xbf: {  	v20 =	vsub.f32 v24, v9;
	v24 =	vmul.f32 $-1.000000000e+01, v22;
	v23 =	vmul.f32 $5.000000000e-01, v23  }
0xc0: {  	v18 =	vsub.f32 v31, v9;
	v28 =	vmul.f32 $-1.000000000e+01, v28;
	v29 =	vmul.f32 $-1.000000000e+01, v29  }
0xc1: {  	v22 =	vsub.f32 v16, v11;
	v24 =	vmax.f32 v24, $-6.000000000e+01;
	v23 =	vmul.f32 $-1.000000000e+01, v23  }
0xc2: {  	v31 =	vmul.f32 $1.442695020e+00, v24;
	v24 =	vmax.f32 v28, $-6.000000000e+01;
	v29 =	vmax.f32 v29, $-6.000000000e+01  }
0xc3: {  	v28 =	vmul.f32 $1.442695020e+00, v29;
	v23 =	vmax.f32 v23, $-6.000000000e+01;
	v29 =	vmul.f32 $1.442695020e+00, v24  }
0xc4: {  	v24 =	vsub.f32 v17, v12;
	v32 =	vtrunc.f32 v31;
	v33 =	vmul.f32 $1.442695020e+00, v23  }
0xc5: {  	v23 =	vsub.f32 v15, v11;
	v34 =	vtrunc.f32 v28;
	v39 =	vtrunc.f32 v29  }
0xc6: {  	v36 =	vcvt.f32.s32 v32;
	vm1 =	vlt.f32 v31, v32;
	v32 =	vtrunc.f32 v33;
	v37 =	vpop (erf)  }
0xc7: {  	v38 =	vcvt.f32.s32 v39;
	vm2 =	vlt.f32 v29, v39;
	v25 =	vmul.f32 v37, v25;
	v35 =	vpop (erf)  }
0xc8: {  	vm3 =	vlt.f32 v28, v34;
	v37 =	vcvt.f32.s32 v34;
	v26 =	vmul.f32 v35, v26  }
0xc9: {  	v34 =	vcvt.f32.s32 v32;
	vm4 =	vlt.f32 v33, v32;
	v25 =	vadd.f32 v25, v30  }
0xca: {  	v32 =	vsel vm2, $0xFFFFFFFF, v7;
	v30 =	vsel vm1, $0xFFFFFFFF, v7;
	v26 =	vadd.f32 v26, v27  }
0xcb: {  	v35 =	vsel vm4, $0xFFFFFFFF, v7;
	v27 =	vsel vm3, $0xFFFFFFFF, v7;
	v25 =	vmul.f32 $5.000000000e-01, v25  }
0xcc: {  	v32 =	vadd.s32 v38, v32;
	v30 =	vadd.s32 v36, v30;
	v36 =	vmul.f32 $5.000000000e-01, v26  }
0xcd: {  	v34 =	vadd.s32 v34, v35;
	v27 =	vadd.s32 v37, v27;
	v35 =	vmul.f32 $-1.000000000e+01, v25  }
0xce: {  	v26 =	vshll.u32 v30, $0x17;
	v25 =	vshll.u32 v32, $0x17;
	v36 =	vmul.f32 $-1.000000000e+01, v36  }
0xcf: {  	v30 =	vcvt.s32.f32 v30;
	v32 =	vcvt.s32.f32 v32;
	v35 =	vmax.f32 v35, $-6.000000000e+01  }
0xd0: {  	v37 =	vcvt.s32.f32 v27;
	v35 =	vmul.f32 $1.442695020e+00, v35;
	v36 =	vmax.f32 v36, $-6.000000000e+01  }
0xd1: {  	v30 =	vsub.f32 v31, v30;
	v31 =	vcvt.s32.f32 v34;
	v36 =	vmul.f32 $1.442695020e+00, v36  }
0xd2: {  	v28 =	vsub.f32 v28, v37;
	v29 =	vsub.f32 v29, v32;
	v32 =	vtrunc.f32 v35  }
0xd3: {  	v37 =	vcvt.f32.s32 v32;
	vm1 =	vlt.f32 v35, v32;
	v32 =	vtrunc.f32 v36  }
0xd4: {  	v38 =	vsel vm1, $0xFFFFFFFF, v7;
	v39 =	vcvt.f32.s32 v32;
	vm1 =	vlt.f32 v36, v32  }
0xd5: {  	v31 =	vsub.f32 v33, v31;
	v32 =	vadd.s32 v37, v38;
	v33 =	vsel vm1, $0xFFFFFFFF, v7  }
0xd6: {  	v30 =	vmul.f32 $6.931471820e-01, v30;
	v37 =	vcvt.s32.f32 v32;
	v33 =	vadd.s32 v39, v33  }
0xd7: {  	v29 =	vmul.f32 $6.931471820e-01, v29;
	v38 =	vcvt.s32.f32 v33;
	v33 =	vshll.u32 v33, $0x17  }
0xd8: {  	v28 =	vmul.f32 $6.931471820e-01, v28;
	v35 =	vsub.f32 v35, v37;
	v33 =	vadd.s32 $0x3F800000, v33  }
0xd9: {  	v31 =	vmul.f32 $6.931471820e-01, v31;
	v37 =	vmul.f32 $1.388888920e-03, v30;
	v36 =	vsub.f32 v36, v38  }
0xda: {  	v27 =	vshll.u32 v27, $0x17;
	v38 =	vmul.f32 $1.388888920e-03, v29;
	v35 =	vmul.f32 $6.931471820e-01, v35  }
0xdb: {  	v34 =	vshll.u32 v34, $0x17;
	v39 =	vmul.f32 $1.388888920e-03, v28;
	v36 =	vmul.f32 $6.931471820e-01, v36  }
0xdc: {  	v40 =	vmul.f32 $1.388888920e-03, v31;
	v37 =	vadd.f32 $8.333333770e-03, v37;
	v41 =	vmul.f32 $1.388888920e-03, v35  }
0xdd: {  	v39 =	vadd.f32 $8.333333770e-03, v39;
	v38 =	vadd.f32 $8.333333770e-03, v38;
	v42 =	vmul.f32 $1.388888920e-03, v36  }
0xde: {  	v40 =	vadd.f32 $8.333333770e-03, v40;
	v37 =	vmul.f32 v37, v30;
	v41 =	vadd.f32 $8.333333770e-03, v41  }
0xdf: {  	v39 =	vmul.f32 v39, v28;
	v38 =	vmul.f32 v38, v29;
	v42 =	vadd.f32 $8.333333770e-03, v42  }
0xe0: {  	v40 =	vmul.f32 v40, v31;
	v37 =	vadd.f32 $4.166666790e-02, v37;
	v41 =	vmul.f32 v41, v35  }
0xe1: {  	v39 =	vadd.f32 $4.166666790e-02, v39;
	v38 =	vadd.f32 $4.166666790e-02, v38;
	v42 =	vmul.f32 v42, v36  }
0xe2: {  	v40 =	vadd.f32 $4.166666790e-02, v40;
	v37 =	vmul.f32 v37, v30;
	v41 =	vadd.f32 $4.166666790e-02, v41  }
0xe3: {  	v39 =	vmul.f32 v39, v28;
	v38 =	vmul.f32 v38, v29;
	v42 =	vadd.f32 $4.166666790e-02, v42  }
0xe4: {  	v40 =	vmul.f32 v40, v31;
	v37 =	vadd.f32 $1.666666720e-01, v37;
	v41 =	vmul.f32 v41, v35  }
0xe5: {  	v39 =	vadd.f32 $1.666666720e-01, v39;
	v38 =	vadd.f32 $1.666666720e-01, v38;
	v42 =	vmul.f32 v42, v36  }
0xe6: {  	v40 =	vadd.f32 $1.666666720e-01, v40;
	v37 =	vmul.f32 v37, v30;
	v41 =	vadd.f32 $1.666666720e-01, v41  }
0xe7: {  	v39 =	vmul.f32 v39, v28;
	v38 =	vmul.f32 v38, v29;
	v42 =	vadd.f32 $1.666666720e-01, v42  }
0xe8: {  	v40 =	vmul.f32 v40, v31;
	v37 =	vadd.f32 $5.000000000e-01, v37;
	v41 =	vmul.f32 v41, v35  }
0xe9: {  	v39 =	vadd.f32 $5.000000000e-01, v39;
	v38 =	vadd.f32 $5.000000000e-01, v38;
	v42 =	vmul.f32 v42, v36  }
0xea: {  	v40 =	vadd.f32 $5.000000000e-01, v40;
	v37 =	vmul.f32 v37, v30;
	v41 =	vadd.f32 $5.000000000e-01, v41  }
0xeb: {  	v39 =	vmul.f32 v39, v28;
	v38 =	vmul.f32 v38, v29;
	v42 =	vadd.f32 $5.000000000e-01, v42  }
0xec: {  	v40 =	vmul.f32 v40, v31;
	v37 =	vadd.f32 $1.000000000e+00, v37;
	v41 =	vmul.f32 v41, v35  }
0xed: {  	v39 =	vadd.f32 $1.000000000e+00, v39;
	v38 =	vadd.f32 $1.000000000e+00, v38;
	v42 =	vmul.f32 v42, v36  }
0xee: {  	v27 =	vadd.s32 $0x3F800000, v27;
	v40 =	vadd.f32 $1.000000000e+00, v40;
	v41 =	vadd.f32 $1.000000000e+00, v41  }
0xef: {  	v28 =	vmul.f32 v39, v28;
	v30 =	vmul.f32 v37, v30;
	v37 =	vadd.f32 $1.000000000e+00, v42  }
0xf0: {  	v34 =	vadd.s32 $0x3F800000, v34;
	v31 =	vmul.f32 v40, v31;
	v35 =	vmul.f32 v41, v35  }
0xf1: {  	v28 =	vadd.f32 $1.000000000e+00, v28;
	v29 =	vmul.f32 v38, v29;
	v36 =	vmul.f32 v37, v36  }
0xf2: {  	v32 =	vshll.u32 v32, $0x17;
	v31 =	vadd.f32 $1.000000000e+00, v31;
	v35 =	vadd.f32 $1.000000000e+00, v35  }
0xf3: {  	v27 =	vmul.f32 v27, v28;
	v28 =	vadd.s32 $0x3F800000, v32;
	v32 =	vadd.f32 $1.000000000e+00, v36  }
0xf4: {  	v26 =	vadd.s32 $0x3F800000, v26;
	v31 =	vmul.f32 v34, v31;
	v28 =	vmul.f32 v28, v35  }
0xf5: {  	v30 =	vadd.f32 $1.000000000e+00, v30;
	v27 =	vadd.f32 $1.000000050e-03, v27;
	v32 =	vmul.f32 v33, v32  }
0xf6: {  	v25 =	vadd.s32 $0x3F800000, v25;
	v31 =	vadd.f32 $1.000000050e-03, v31;
	v28 =	vadd.f32 $1.000000050e-03, v28  }
0xf7: {  	v29 =	vadd.f32 $1.000000000e+00, v29;
	v26 =	vmul.f32 v26, v30;
	v30 =	vadd.f32 $1.000000050e-03, v32  }
0xf8: {  	s13 =	sadd.s32 $0x60, s13;
	v31 =	vsel vm0, $0x0, v31;
	v27 =	vsel vm0, $0x0, v27;
	v28 =	vsel vm0, $0x0, v28  }
0xf9: {  	v16 =	vsub.f32 v16, v10;
	v25 =	vmul.f32 v25, v29;
	v32 =	vsub.f32 v14, v12;
	[tilespmem:s13+$0x10] =	vst v28  }
0xfa: {  	v19 =	vmul.f32 v19, v19;
	v17 =	vsub.f32 v17, v13;
	v26 =	vadd.f32 $1.000000050e-03, v26;
	[tilespmem:s13+$0xFFFFFFD0] =	vst v27  }
0xfb: {  	v22 =	vmul.f32 v22, v22;
	v24 =	vmul.f32 v24, v24;
	v25 =	vadd.f32 $1.000000050e-03, v25;
	[tilespmem:s13+$0xFFFFFFF0] =	vst v31  }
0xfc: {  	v15 =	vsub.f32 v15, v10;
	v23 =	vmul.f32 v23, v23;
	v27 =	vmul.f32 v32, v32;
	[tilespmem:s13+$0xFFFFFFE0] =	vst v26  }
0xfd: {  	v16 =	vmul.f32 v16, v16;
	v17 =	vmul.f32 v17, v17;
	v22 =	vadd.f32 v24, v22;
	[tilespmem:s13+$0x0] =	vst v25  }
0xfe: {  	v21 =	vmul.f32 v21, v21;
	v14 =	vsub.f32 v14, v13;
	v23 =	vadd.f32 v27, v23;
	[tilespmem:s13+$0x20] =	vst v30  }
0xff: {  	v16 =	vadd.f32 v17, v16;
	v17 =	vmul.f32 v20, v20;
	v19 =	vadd.f32 v19, v22  }
0x100: {  	v15 =	vmul.f32 v15, v15;
	v14 =	vmul.f32 v14, v14;
	v20 =	vadd.f32 v21, v23  }
0x101: {  	v16 =	vadd.f32 v17, v16;
	v19 =	vadd.f32 $9.999999960e-13, v19  }
.Ltmp0:
0x102: {  	v14 =	vadd.f32 v14, v15;
	v15 =	vmul.f32 v18, v18;
	v18 =	vadd.f32 $9.999999960e-13, v20;
	(pc) =	sbr.rel @p0 .LBB2_2-.Ltmp0, $4  }
0x103: {  	v20 =	vadd.f32 $9.999999960e-13, v16;
	v16 =	vshrl.u32 v19, $0x1  }
0x104: {  	v17 =	vadd.f32 v15, v14;
	v16 =	vadd.s32 $0x1FBD1DF5, v16;
	v14 =	vshrl.u32 v18, $0x1  }
0x105: {  	s15 =	sadd.s32 $0xFFFFFFF2, s14;
	s16 =	sadd.s32 $0x2, s14;
	p1 =	slt.u32 s14, $0xE;
	v15 =	vshrl.u32 v20, $0x1;
	v14 =	vadd.s32 $0x1FBD1DF5, v14;
	(erf) = vrcp.f32 v16  }
0x106: {  	s14 =	sadd.s32 $0x3, s14;
	s15 =	smov.u32 @p1 s16;
	v21 =	vadd.f32 $9.999999960e-13, v17;
	v15 =	vadd.s32 $0x1FBD1DF5, v15;
	(erf) = vrcp.f32 v14  }
0x107: {  	v17 =	vmov s15  }
0x108: {  	v23 =	vperm.xlane v10, v17;
	v24 =	vperm.xlane v11, v17  }
0x109: {  	v25 =	vperm.xlane v13, v17;
	v26 =	vperm.xlane v12, v17  }
0x10a: {  	(erf) = vrcp.f32 v15;
	v22 =	vshrl.u32 v21, $0x1;
	v27 =	vperm.xlane v9, v17  }
0x10b: {  	v17 =	vperm.xlane v8, v17;
	v23 =	vpsel p1, v23, v24;
	v24 =	vpsel p1, v25, v26  }
0x10c: {  	v22 =	vadd.s32 $0x1FBD1DF5, v22;
	v10 =	vsub.f32 v23, v10;
	v13 =	vsub.f32 v24, v13  }
0x10d: {  	v17 =	vpsel p1, v27, v17;
	v11 =	vsub.f32 v23, v11;
	v12 =	vsub.f32 v24, v12  }
0x10e: {  	v9 =	vsub.f32 v17, v9;
	v10 =	vmul.f32 v10, v10;
	v13 =	vmul.f32 v13, v13  }
0x10f: {  	(erf) = vrcp.f32 v22;
	v8 =	vsub.f32 v17, v8;
	v11 =	vmul.f32 v11, v11  }
0x110: {  	v12 =	vmul.f32 v12, v12;
	v9 =	vmul.f32 v9, v9;
	v17 =	vpop (erf);
	v10 =	vadd.f32 v13, v10  }
0x111: {  	v17 =	vmul.f32 v17, v19  }
0x112: {  	v8 =	vmul.f32 v8, v8;
	v11 =	vadd.f32 v12, v11;
	v9 =	vadd.f32 v9, v10  }
0x113: {  	v13 =	vpop (erf);
	v10 =	vadd.f32 v16, v17  }
0x114: {  	v8 =	vadd.f32 v8, v11;
	v12 =	vpop (erf);
	v13 =	vmul.f32 v13, v18;
	v9 =	vadd.f32 $9.999999960e-13, v9  }
0x115: {  	v12 =	vmul.f32 v12, v20;
	v10 =	vmul.f32 $5.000000000e-01, v10  }
0x116: {  	v8 =	vadd.f32 $9.999999960e-13, v8;
	v13 =	vadd.f32 v14, v13;
	v14 =	vshrl.u32 v9, $0x1  }
0x117: {  	(erf) = vrcp.f32 v10;
	v14 =	vadd.s32 $0x1FBD1DF5, v14  }
0x118: {  	v11 =	vpop (erf);
	v12 =	vadd.f32 v15, v12;
	v15 =	vshrl.u32 v8, $0x1;
	(erf) = vrcp.f32 v14  }
0x119: {  	v11 =	vmul.f32 v11, v21;
	v15 =	vadd.s32 $0x1FBD1DF5, v15  }
0x11a: {  	v13 =	vmul.f32 $5.000000000e-01, v13;
	(erf) = vrcp.f32 v15  }
0x11b: {  	v11 =	vadd.f32 v22, v11;
	v12 =	vmul.f32 $5.000000000e-01, v12  }
0x11c: {  	(erf) = vrcp.f32 v13  }
0x11d: {  	v11 =	vmul.f32 $5.000000000e-01, v11;
	(erf) = vrcp.f32 v12;
	_ =	sdelay $0x1  }
0x11e: {  	(erf) = vrcp.f32 v11  }
0x11f: {  	v16 =	vpop (erf)  }
0x120: {  	v17 =	vpop (erf)  }
0x121: {  	v17 =	vmul.f32 v17, v9  }
0x122: {  	v22 =	vpop (erf)  }
0x123: {  	v16 =	vmul.f32 v16, v19;
	v22 =	vmul.f32 v22, v8  }
0x124: {  	v19 =	vpop (erf);
	v14 =	vadd.f32 v14, v17  }
0x125: {  	v10 =	vadd.f32 v16, v10;
	v18 =	vmul.f32 v19, v18;
	v15 =	vadd.f32 v15, v22;
	v17 =	vpop (erf)  }
0x126: {  	v14 =	vmul.f32 $5.000000000e-01, v14;
	v17 =	vmul.f32 v17, v20  }
0x127: {  	v10 =	vmul.f32 $5.000000000e-01, v10;
	v13 =	vadd.f32 v18, v13;
	v16 =	vpop (erf);
	v15 =	vmul.f32 $5.000000000e-01, v15  }
0x128: {  	v16 =	vmul.f32 v16, v21;
	(erf) = vrcp.f32 v14;
	v12 =	vadd.f32 v17, v12  }
0x129: {  	v10 =	vmul.f32 $-1.000000000e+01, v10;
	v13 =	vmul.f32 $5.000000000e-01, v13  }
0x12a: {  	(erf) = vrcp.f32 v15;
	v11 =	vadd.f32 v16, v11;
	v12 =	vmul.f32 $5.000000000e-01, v12  }
0x12b: {  	v13 =	vmul.f32 $-1.000000000e+01, v13  }
0x12c: {  	v10 =	vmax.f32 v10, $-6.000000000e+01;
	v11 =	vmul.f32 $5.000000000e-01, v11;
	v12 =	vmul.f32 $-1.000000000e+01, v12  }
0x12d: {  	v10 =	vmul.f32 $1.442695020e+00, v10;
	v13 =	vmax.f32 v13, $-6.000000000e+01  }
0x12e: {  	v13 =	vmul.f32 $1.442695020e+00, v13;
	v11 =	vmul.f32 $-1.000000000e+01, v11;
	v12 =	vmax.f32 v12, $-6.000000000e+01  }
0x12f: {  	vm15 =	veq.s32 v0, $0x0;
	v16 =	vtrunc.f32 v10;
	v12 =	vmul.f32 $1.442695020e+00, v12  }
0x130: {  	v19 =	vcvt.f32.s32 v16;
	v18 =	vtrunc.f32 v13;
	v11 =	vmax.f32 v11, $-6.000000000e+01  }
0x131: {  	vm0 =	vlt.f32 v10, v16;
	v11 =	vmul.f32 $1.442695020e+00, v11;
	v20 =	vpop (erf);
	v17 =	vtrunc.f32 v12  }
0x132: {  	vm1 =	vlt.f32 v13, v18;
	v9 =	vmul.f32 v20, v9;
	v20 =	vcvt.f32.s32 v18  }
0x133: {  	v18 =	vpop (erf);
	v16 =	vtrunc.f32 v11;
	v21 =	vcvt.f32.s32 v17;
	vm2 =	vlt.f32 v12, v17  }
0x134: {  	v8 =	vmul.f32 v18, v8;
	v17 =	vsel vm1, $0xFFFFFFFF, v7;
	v9 =	vadd.f32 v9, v14  }
0x135: {  	v14 =	vcvt.f32.s32 v16;
	vm3 =	vlt.f32 v11, v16;
	v16 =	vsel vm0, $0xFFFFFFFF, v7  }
0x136: {  	v17 =	vadd.s32 v20, v17;
	v8 =	vadd.f32 v8, v15;
	v15 =	vsel vm2, $0xFFFFFFFF, v7  }
0x137: {  	v18 =	vsel vm3, $0xFFFFFFFF, v7;
	v16 =	vadd.s32 v19, v16;
	v9 =	vmul.f32 $5.000000000e-01, v9  }
0x138: {  	v19 =	vshll.u32 v17, $0x17;
	v17 =	vcvt.s32.f32 v17;
	v15 =	vadd.s32 v21, v15  }
0x139: {  	v14 =	vadd.s32 v14, v18;
	v8 =	vmul.f32 $5.000000000e-01, v8;
	v9 =	vmul.f32 $-1.000000000e+01, v9  }
0x13a: {  	v18 =	vshll.u32 v16, $0x17;
	v16 =	vcvt.s32.f32 v16;
	v20 =	vcvt.s32.f32 v15  }
0x13b: {  	v21 =	vcvt.s32.f32 v14;
	v8 =	vmul.f32 $-1.000000000e+01, v8;
	v9 =	vmax.f32 v9, $-6.000000000e+01  }
0x13c: {  	v13 =	vsub.f32 v13, v17;
	v15 =	vshll.u32 v15, $0x17;
	v9 =	vmul.f32 $1.442695020e+00, v9  }
0x13d: {  	v14 =	vshll.u32 v14, $0x17;
	v10 =	vsub.f32 v10, v16;
	v8 =	vmax.f32 v8, $-6.000000000e+01  }
0x13e: {  	v11 =	vsub.f32 v11, v21;
	v8 =	vmul.f32 $1.442695020e+00, v8;
	v16 =	vtrunc.f32 v9  }
0x13f: {  	v12 =	vsub.f32 v12, v20;
	v20 =	vcvt.f32.s32 v16;
	vm13 =	vlt.f32 v9, v16  }
0x140: {  	v11 =	vmul.f32 $6.931471820e-01, v11;
	v16 =	vtrunc.f32 v8;
	v17 =	vsel vm13, $0xFFFFFFFF, v7  }
0x141: {  	v22 =	vcvt.f32.s32 v16;
	vm14 =	vlt.f32 v8, v16;
	v16 =	vadd.s32 v20, v17  }
0x142: {  	v15 =	vadd.s32 $0x3F800000, v15;
	v13 =	vmul.f32 $6.931471820e-01, v13;
	v20 =	vcvt.s32.f32 v16  }
0x143: {  	v14 =	vadd.s32 $0x3F800000, v14;
	v12 =	vmul.f32 $6.931471820e-01, v12;
	v24 =	vmul.f32 $1.388888920e-03, v11  }
0x144: {  	v10 =	vmul.f32 $6.931471820e-01, v10;
	v17 =	vsel vm14, $0xFFFFFFFF, v7;
	v9 =	vsub.f32 v9, v20  }
0x145: {  	v24 =	vadd.f32 $8.333333770e-03, v24;
	v17 =	vadd.s32 v22, v17;
	v22 =	vmul.f32 $1.388888920e-03, v12  }
0x146: {  	v21 =	vcvt.s32.f32 v17;
	v17 =	vshll.u32 v17, $0x17;
	v9 =	vmul.f32 $6.931471820e-01, v9  }
0x147: {  	v24 =	vmul.f32 v24, v11;
	v16 =	vshll.u32 v16, $0x17;
	v17 =	vadd.s32 $0x3F800000, v17  }
0x148: {  	v20 =	vmul.f32 $1.388888920e-03, v10;
	v22 =	vadd.f32 $8.333333770e-03, v22;
	v23 =	vmul.f32 $1.388888920e-03, v9  }
0x149: {  	v24 =	vadd.f32 $4.166666790e-02, v24;
	v8 =	vsub.f32 v8, v21;
	v21 =	vmul.f32 $1.388888920e-03, v13  }
0x14a: {  	v20 =	vadd.f32 $8.333333770e-03, v20;
	v22 =	vmul.f32 v22, v12;
	v23 =	vadd.f32 $8.333333770e-03, v23  }
0x14b: {  	v24 =	vmul.f32 v24, v11;
	v8 =	vmul.f32 $6.931471820e-01, v8;
	v21 =	vadd.f32 $8.333333770e-03, v21  }
0x14c: {  	v20 =	vmul.f32 v20, v10;
	v22 =	vadd.f32 $4.166666790e-02, v22;
	v23 =	vmul.f32 v23, v9  }
0x14d: {  	v24 =	vadd.f32 $1.666666720e-01, v24;
	v25 =	vmul.f32 $1.388888920e-03, v8;
	v21 =	vmul.f32 v21, v13  }
0x14e: {  	v20 =	vadd.f32 $4.166666790e-02, v20;
	v22 =	vmul.f32 v22, v12;
	v23 =	vadd.f32 $4.166666790e-02, v23  }
0x14f: {  	v24 =	vmul.f32 v24, v11;
	v25 =	vadd.f32 $8.333333770e-03, v25;
	v21 =	vadd.f32 $4.166666790e-02, v21  }
0x150: {  	v20 =	vmul.f32 v20, v10;
	v22 =	vadd.f32 $1.666666720e-01, v22;
	v23 =	vmul.f32 v23, v9  }
0x151: {  	v24 =	vadd.f32 $5.000000000e-01, v24;
	v25 =	vmul.f32 v25, v8;
	v21 =	vmul.f32 v21, v13  }
0x152: {  	v20 =	vadd.f32 $1.666666720e-01, v20;
	v22 =	vmul.f32 v22, v12;
	v23 =	vadd.f32 $1.666666720e-01, v23  }
0x153: {  	v24 =	vmul.f32 v24, v11;
	v25 =	vadd.f32 $4.166666790e-02, v25;
	v21 =	vadd.f32 $1.666666720e-01, v21  }
0x154: {  	v20 =	vmul.f32 v20, v10;
	v22 =	vadd.f32 $5.000000000e-01, v22;
	v23 =	vmul.f32 v23, v9  }
0x155: {  	v24 =	vadd.f32 $1.000000000e+00, v24;
	v25 =	vmul.f32 v25, v8;
	v21 =	vmul.f32 v21, v13  }
0x156: {  	v20 =	vadd.f32 $5.000000000e-01, v20;
	v22 =	vmul.f32 v22, v12;
	v23 =	vadd.f32 $5.000000000e-01, v23  }
0x157: {  	v11 =	vmul.f32 v24, v11;
	v25 =	vadd.f32 $1.666666720e-01, v25;
	v21 =	vadd.f32 $5.000000000e-01, v21  }
0x158: {  	v20 =	vmul.f32 v20, v10;
	v22 =	vadd.f32 $1.000000000e+00, v22;
	v23 =	vmul.f32 v23, v9  }
0x159: {  	v11 =	vadd.f32 $1.000000000e+00, v11;
	v25 =	vmul.f32 v25, v8;
	v21 =	vmul.f32 v21, v13  }
0x15a: {  	v20 =	vadd.f32 $1.000000000e+00, v20;
	v12 =	vmul.f32 v22, v12;
	v23 =	vadd.f32 $1.000000000e+00, v23  }
0x15b: {  	v11 =	vmul.f32 v14, v11;
	v14 =	vadd.s32 $0x3F800000, v18;
	v25 =	vadd.f32 $5.000000000e-01, v25  }
0x15c: {  	v21 =	vadd.f32 $1.000000000e+00, v21;
	v10 =	vmul.f32 v20, v10;
	v9 =	vmul.f32 v23, v9  }
0x15d: {  	v12 =	vadd.f32 $1.000000000e+00, v12;
	v11 =	vadd.f32 $1.000000050e-03, v11;
	v25 =	vmul.f32 v25, v8  }
0x15e: {  	v13 =	vmul.f32 v21, v13;
	v10 =	vadd.f32 $1.000000000e+00, v10;
	v9 =	vadd.f32 $1.000000000e+00, v9  }
0x15f: {  	v12 =	vmul.f32 v15, v12;
	v15 =	vadd.s32 $0x3F800000, v16;
	v20 =	vadd.f32 $1.000000000e+00, v25  }
0x160: {  	v11 =	vsel vm15, $0x0, v11;
	v10 =	vmul.f32 v14, v10;
	v9 =	vmul.f32 v15, v9  }
0x161: {  	s13 =	sadd.s32 $0x60, s13;
	s26 =	simm.s32 $0x10;
	v13 =	vadd.f32 $1.000000000e+00, v13;
	v12 =	vadd.f32 $1.000000050e-03, v12;
	v8 =	vmul.f32 v20, v8  }
0x162: {  	s14 =	simm.s32 $0x0;
	[tilespmem:s13+$0xFFFFFFF0] =	vst v11;
	v11 =	vmov s26;
	v10 =	vadd.f32 $1.000000050e-03, v10;
	v9 =	vadd.f32 $1.000000050e-03, v9  }
0x163: {  	v14 =	vmov s14;
	v8 =	vadd.f32 $1.000000000e+00, v8;
	v15 =	vadd.s32 $0x3F800000, v19  }
0x164: {  	[tilespmem:s13+$0xFFFFFFE0] =	vst v10;
	v10 =	vmul.u32 $0x9, v11;
	v13 =	vmul.f32 v15, v13;
	v9 =	vsel vm15, $0x0, v9  }
0x165: {  	v15 =	vmul.f32 v17, v8;
	v8 =	vsel vm15, $0x0, v12;
	[tilespmem:s13+$0x10] =	vst v9;
	v9 =	vmul.u32 $0x9, v14  }
0x166: {  	[tilespmem:s13+$0xFFFFFFD0] =	vst v8;
	v8 =	vmul.u32 $0x9, v0;
	v19 =	vbroadcast v10, $0x0;
	v12 =	vadd.f32 $1.000000050e-03, v13  }
0x167: {  	v14 =	vadd.f32 $1.000000050e-03, v15;
	v13 =	vbroadcast v9, $0x0  }
0x168: {  	v17 =	vadd.s32 v8, v19;
	[tilespmem:s13+$0x0] =	vst v12  }
0x169: {  	v9 =	vadd.s32 $0x1, v8;
	[tilespmem:s13+$0x20] =	vst v14;
	v15 =	vadd.s32 v8, v13  }
0x16a: {  	v11 =	vadd.s32 $0x2, v8;
	_ =	swait.ge [sflag:s9], $0x1200;
	v10 =	vadd.s32 v9, v13  }
0x16b: {  	v23 =	vadd.s32 v11, v19;
	[sflag:s9] =	ssyncset.done $0x0  }
0x16c: {  	v12 =	vadd.s32 $0x3, v8;
	v16 =	vadd.s32 v11, v13;
	[sflag:s9] =	ssyncadd.s32 $0xFFFFEE00  }
0x16d: {  	v27 =	vadd.s32 v12, v19;
	v26 =	vld.idx.msk [tilespmem:v17+s2+$0x0], $0xffff  }
0x16e: {  	v14 =	vadd.s32 $0x4, v8;
	v18 =	vadd.s32 v12, v13;
	v21 =	vld.idx.msk [tilespmem:v15+s2+$0x0], $0xffff  }
0x16f: {  	v22 =	vadd.s32 v14, v13;
	v10 =	vld.idx.msk [tilespmem:v10+s2+$0x0], $0xffff  }
0x170: {  	v20 =	vadd.s32 v9, v19;
	v23 =	vld.idx.msk [tilespmem:v23+s2+$0x0], $0xffff;
	v15 =	vadd.s32 $0x5, v8  }
0x171: {  	v24 =	vld.idx.msk [tilespmem:v16+s2+$0x0], $0xffff;
	v16 =	vadd.s32 $0x6, v8;
	v25 =	vadd.s32 v15, v13  }
0x172: {  	v17 =	vadd.s32 $0x7, v8;
	v27 =	vld.idx.msk [tilespmem:v27+s2+$0x0], $0xffff;
	v29 =	vadd.s32 v16, v13  }
0x173: {  	v28 =	vld.idx.msk [tilespmem:v18+s2+$0x0], $0xffff;
	v30 =	vshll.u32 v21, $0x5;
	v21 =	vadd.s32 v17, v13  }
0x174: {  	v22 =	vld.idx.msk [tilespmem:v22+s2+$0x0], $0xffff;
	v10 =	vadd.s32 v10, v30  }
0x175: {  	v31 =	vadd.s32 v14, v19;
	v20 =	vld.idx.msk [tilespmem:v20+s2+$0x0], $0xffff  }
0x176: {  	v18 =	vadd.s32 $0x8, v8;
	v24 =	vadd.s32 v30, v24;
	v25 =	vld.idx.msk [tilespmem:v25+s2+$0x0], $0xffff  }
0x177: {  	v13 =	vadd.s32 v18, v13;
	v29 =	vld.idx.msk [tilespmem:v29+s2+$0x0], $0xffff  }
0x178: {  	v28 =	vadd.s32 v30, v28;
	v32 =	vld.idx.msk [tilespmem:v21+s2+$0x0], $0xffff  }
0x179: {  	v33 =	vshll.u32 v26, $0x5;
	v21 =	vld.idx.msk [tilespmem:v10+s10+$0x0], $0xffff;
	v10 =	vadd.s32 v30, v22  }
0x17a: {  	v26 =	vld.idx.msk [tilespmem:v31+s2+$0x0], $0xffff;
	v20 =	vadd.s32 v20, v33  }
0x17b: {  	v22 =	vld.idx.msk [tilespmem:v24+s10+$0x0], $0xffff;
	v24 =	vadd.s32 v30, v25  }
0x17c: {  	v13 =	vld.idx.msk [tilespmem:v13+s2+$0x0], $0xffff;
	v25 =	vadd.s32 v15, v19  }
0x17d: {  	v23 =	vadd.s32 v33, v23;
	v34 =	vld.idx.msk [tilespmem:v28+s10+$0x0], $0xffff  }
0x17e: {  	v28 =	vadd.s32 v30, v29;
	v29 =	vld.idx.msk [tilespmem:v10+s10+$0x0], $0xffff  }
0x17f: {  	v31 =	vadd.s32 v30, v32;
	v10 =	vld.idx.msk [tilespmem:v20+s10+$0x0], $0xffff  }
0x180: {  	v20 =	vadd.s32 v33, v27;
	v27 =	vld.idx.msk [tilespmem:v24+s10+$0x0], $0xffff  }
0x181: {  	s28 =	simm.s32 $0x20;
	v24 =	vadd.s32 v30, v13;
	v25 =	vld.idx.msk [tilespmem:v25+s2+$0x0], $0xffff  }
0x182: {  	v30 =	vadd.s32 v16, v19;
	v13 =	vld.idx.msk [tilespmem:v23+s10+$0x0], $0xffff;
	v23 =	vmov s28  }
0x183: {  	v26 =	vadd.s32 v33, v26;
	v32 =	vld.idx.msk [tilespmem:v28+s10+$0x0], $0xffff;
	v23 =	vmul.u32 $0x9, v23  }
0x184: {  	s29 =	simm.s32 $0x30;
	v28 =	vadd.s32 v17, v19;
	v31 =	vld.idx.msk [tilespmem:v31+s10+$0x0], $0xffff  }
0x185: {  	v35 =	vmov s29;
	v19 =	vadd.s32 v18, v19;
	v36 =	vld.idx.msk [tilespmem:v20+s10+$0x0], $0xffff;
	v20 =	vbroadcast v23, $0x0  }
0x186: {  	v23 =	vmul.u32 $0x9, v35;
	v35 =	vld.idx.msk [tilespmem:v24+s10+$0x0], $0xffff;
	v24 =	vadd.s32 v33, v25  }
0x187: {  	v30 =	vld.idx.msk [tilespmem:v30+s2+$0x0], $0xffff;
	v37 =	vadd.s32 v8, v20  }
0x188: {  	v25 =	vld.idx.msk [tilespmem:v26+s10+$0x0], $0xffff;
	v38 =	vbroadcast v23, $0x0;
	v23 =	vadd.s32 v9, v20  }
0x189: {  	v39 =	vld.idx.msk [tilespmem:v28+s2+$0x0], $0xffff;
	v26 =	vadd.s32 v11, v20  }
0x18a: {  	v40 =	vld.idx.msk [tilespmem:v19+s2+$0x0], $0xffff;
	v28 =	vadd.s32 v12, v20  }
0x18b: {  	v42 =	vadd.s32 v14, v20;
	v24 =	vld.idx.msk [tilespmem:v24+s10+$0x0], $0xffff  }
0x18c: {  	v44 =	vadd.s32 v15, v20;
	v37 =	vld.idx.msk [tilespmem:v37+s2+$0x0], $0xffff  }
0x18d: {  	v46 =	vadd.s32 v16, v20;
	v23 =	vld.idx.msk [tilespmem:v23+s2+$0x0], $0xffff  }
0x18e: {  	v47 =	vadd.s32 v17, v20;
	v26 =	vld.idx.msk [tilespmem:v26+s2+$0x0], $0xffff  }
0x18f: {  	v20 =	vadd.s32 v18, v20;
	v28 =	vld.idx.msk [tilespmem:v28+s2+$0x0], $0xffff  }
0x190: {  	v19 =	vadd.s32 v8, v38;
	v42 =	vld.idx.msk [tilespmem:v42+s2+$0x0], $0xffff  }
0x191: {  	v41 =	vadd.s32 v9, v38;
	v44 =	vld.idx.msk [tilespmem:v44+s2+$0x0], $0xffff  }
0x192: {  	v45 =	vadd.s32 v12, v38;
	v46 =	vld.idx.msk [tilespmem:v46+s2+$0x0], $0xffff  }
0x193: {  	v43 =	vadd.s32 v11, v38;
	v47 =	vld.idx.msk [tilespmem:v47+s2+$0x0], $0xffff  }
0x194: {  	v50 =	vadd.s32 v14, v38;
	v61 =	vld.idx.msk [tilespmem:v20+s2+$0x0], $0xffff  }
0x195: {  	v63 =	vadd.s32 v15, v38;
	v19 =	vld.idx.msk [tilespmem:v19+s2+$0x0], $0xffff  }
0x196: {  	v30 =	vadd.s32 v33, v30;
	v41 =	vld.idx.msk [tilespmem:v41+s2+$0x0], $0xffff  }
0x197: {  	v59 =	vadd.s32 v17, v38;
	v45 =	vld.idx.msk [tilespmem:v45+s2+$0x0], $0xffff;
	v37 =	vshll.u32 v37, $0x5  }
0x198: {  	v43 =	vld.idx.msk [tilespmem:v43+s2+$0x0], $0xffff;
	v23 =	vadd.s32 v23, v37  }
0x199: {  	v62 =	vld.idx.msk [tilespmem:v50+s2+$0x0], $0xffff;
	v48 =	vadd.s32 v37, v26  }
0x19a: {  	v58 =	vld.idx.msk [tilespmem:v63+s2+$0x0], $0xffff;
	v26 =	vshll.u32 v19, $0x5;
	v19 =	vadd.s32 v37, v42  }
0x19b: {  	v30 =	vld.idx.msk [tilespmem:v30+s10+$0x0], $0xffff;
	v49 =	vadd.s32 v37, v28  }
0x19c: {  	v60 =	vadd.s32 v37, v44;
	v55 =	vadd.s32 v26, v45;
	v45 =	vld.idx.msk [tilespmem:v59+s2+$0x0], $0xffff  }
0x19d: {  	v20 =	vadd.f32 v22, v21;
	v46 =	vadd.s32 v37, v46;
	v23 =	vld.idx.msk [tilespmem:v23+s10+$0x0], $0xffff  }
0x19e: {  	v54 =	vadd.s32 v37, v47;
	v28 =	vld.idx.msk [tilespmem:v48+s10+$0x0], $0xffff  }
0x19f: {  	v37 =	vadd.s32 v37, v61;
	v51 =	vld.idx.msk [tilespmem:v19+s10+$0x0], $0xffff;
	v19 =	vadd.f32 v34, v20  }
0x1a0: {  	v41 =	vadd.s32 v41, v26;
	v48 =	vld.idx.msk [tilespmem:v49+s10+$0x0], $0xffff  }
0x1a1: {  	v42 =	vld.idx.msk [tilespmem:v60+s10+$0x0], $0xffff;
	v29 =	vadd.f32 v29, v19  }
0x1a2: {  	v43 =	vadd.s32 v26, v43;
	v57 =	vld.idx.msk [tilespmem:v46+s10+$0x0], $0xffff  }
0x1a3: {  	s30 =	simm.s32 $0x40;
	v56 =	vadd.s32 v16, v38;
	v61 =	vadd.s32 v18, v38;
	v34 =	vld.idx.msk [tilespmem:v54+s10+$0x0], $0xffff;
	v27 =	vadd.f32 v27, v29  }
0x1a4: {  	v37 =	vld.idx.msk [tilespmem:v37+s10+$0x0], $0xffff;
	v29 =	vadd.s32 v26, v62;
	v60 =	vadd.f32 v28, v23;
	v62 =	vmov s30  }
0x1a5: {  	v50 =	vadd.s32 v26, v58;
	v20 =	vld.idx.msk [tilespmem:v41+s10+$0x0], $0xffff;
	v38 =	vmul.u32 $0x9, v62;
	v27 =	vadd.f32 v32, v27  }
0x1a6: {  	v41 =	vld.idx.msk [tilespmem:v55+s10+$0x0], $0xffff;
	v47 =	vadd.f32 v48, v60  }
0x1a7: {  	s31 =	simm.s32 $0x50;
	v19 =	vld.idx.msk [tilespmem:v43+s10+$0x0], $0xffff;
	v38 =	vbroadcast v38, $0x0;
	v27 =	vadd.f32 v31, v27;
	v31 =	vadd.s32 v33, v39  }
0x1a8: {  	v63 =	vmov s31;
	v58 =	vadd.f32 v13, v10;
	v32 =	vld.idx.msk [tilespmem:v61+s2+$0x0], $0xffff;
	v33 =	vadd.s32 v33, v40  }
0x1a9: {  	v39 =	vld.idx.msk [tilespmem:v56+s2+$0x0], $0xffff;
	v48 =	vadd.f32 v51, v47;
	v51 =	vadd.s32 v8, v38;
	v27 =	vadd.f32 v35, v27  }
0x1aa: {  	v49 =	vmul.u32 $0x9, v63;
	v40 =	vld.idx.msk [tilespmem:v50+s10+$0x0], $0xffff;
	v53 =	vadd.s32 v9, v38;
	v54 =	vadd.s32 v11, v38  }
0x1ab: {  	v29 =	vld.idx.msk [tilespmem:v29+s10+$0x0], $0xffff;
	v55 =	vadd.s32 v12, v38;
	v42 =	vadd.f32 v42, v48;
	v52 =	vsub.f32 v27, v21  }
0x1ac: {  	v61 =	vadd.s32 v15, v38;
	v35 =	vbroadcast v49, $0x0;
	v27 =	vmax.f32 v27, $1.000000000e-30;
	v31 =	vld.idx.msk [tilespmem:v31+s10+$0x0], $0xffff  }
0x1ad: {  	v42 =	vadd.f32 v57, v42;
	(erf) = vrcp.f32 v27;
	v33 =	vld.idx.msk [tilespmem:v33+s10+$0x0], $0xffff;
	v46 =	vmax.f32 v52, $1.000000000e-30  }
0x1ae: {  	v36 =	vadd.f32 v36, v58;
	v56 =	vadd.s32 v9, v35;
	v43 =	vld.idx.msk [tilespmem:v51+s2+$0x0], $0xffff;
	(erf) = vrcp.f32 v46  }
0x1af: {  	v59 =	vadd.s32 v11, v35;
	v34 =	vadd.f32 v34, v42;
	v44 =	vld.idx.msk [tilespmem:v54+s2+$0x0], $0xffff  }
0x1b0: {  	v25 =	vadd.f32 v25, v36;
	v27 =	vadd.s32 v8, v35;
	v42 =	vld.idx.msk [tilespmem:v55+s2+$0x0], $0xffff  }
0x1b1: {  	v57 =	vadd.s32 v14, v38;
	v51 =	vld.idx.msk [tilespmem:v61+s2+$0x0], $0xffff;
	v34 =	vadd.f32 v37, v34  }
0x1b2: {  	v24 =	vadd.f32 v24, v25;
	v62 =	vadd.s32 v12, v35;
	v37 =	vld.idx.msk [tilespmem:v53+s2+$0x0], $0xffff  }
0x1b3: {  	v52 =	vadd.s32 v16, v38;
	v46 =	vld.idx.msk [tilespmem:v56+s2+$0x0], $0xffff;
	v60 =	vsub.f32 v34, v23  }
0x1b4: {  	v30 =	vadd.f32 v30, v24;
	v56 =	vadd.s32 v17, v38;
	v49 =	vld.idx.msk [tilespmem:v59+s2+$0x0], $0xffff;
	v34 =	vmax.f32 v34, $1.000000000e-30  }
0x1b5: {  	v59 =	vadd.s32 v18, v38;
	v27 =	vld.idx.msk [tilespmem:v27+s2+$0x0], $0xffff;
	(erf) = vrcp.f32 v34;
	v50 =	vmax.f32 v60, $1.000000000e-30  }
0x1b6: {  	v61 =	vadd.s32 v14, v35;
	v63 =	vld.idx.msk [tilespmem:v57+s2+$0x0], $0xffff;
	v43 =	vshll.u32 v43, $0x5;
	(erf) = vrcp.f32 v50;
	v57 =	vpop (erf)  }
0x1b7: {  	v38 =	vld.idx.msk [tilespmem:v62+s2+$0x0], $0xffff;
	v30 =	vadd.f32 v31, v30;
	v37 =	vadd.s32 v37, v43;
	v58 =	vpop (erf)  }
0x1b8: {  	v44 =	vadd.s32 v43, v44;
	v60 =	vld.idx.msk [tilespmem:v52+s2+$0x0], $0xffff;
	v21 =	vmul.f32 v57, v21;
	v22 =	vmul.f32 v58, v22  }
0x1b9: {  	v25 =	vadd.s32 v26, v39;
	v42 =	vadd.s32 v43, v42;
	v54 =	vadd.f32 v33, v30;
	v47 =	vld.idx.msk [tilespmem:v56+s2+$0x0], $0xffff  }
0x1ba: {  	v39 =	vld.idx.msk [tilespmem:v59+s2+$0x0], $0xffff;
	v24 =	vshll.u32 v27, $0x5;
	v50 =	vmul.f32 v22, v21;
	v22 =	vadd.f32 v19, v20  }
0x1bb: {  	v31 =	vadd.s32 v43, v51;
	v56 =	vld.idx.msk [tilespmem:v61+s2+$0x0], $0xffff;
	v62 =	vadd.s32 v46, v24  }
0x1bc: {  	v34 =	vadd.s32 v43, v63;
	v61 =	vmax.f32 v54, $1.000000000e-30;
	v21 =	vld.idx.msk [tilespmem:v37+s10+$0x0], $0xffff;
	v27 =	vadd.f32 v41, v22  }
0x1bd: {  	v30 =	vadd.s32 v16, v35;
	v59 =	vsub.f32 v54, v10;
	(erf) = vrcp.f32 v61;
	v22 =	vld.idx.msk [tilespmem:v44+s10+$0x0], $0xffff  }
0x1be: {  	v36 =	vadd.s32 v24, v38;
	v55 =	vadd.s32 v43, v60;
	v63 =	vadd.f32 v29, v27;
	v29 =	vpop (erf)  }
0x1bf: {  	v42 =	vld.idx.msk [tilespmem:v42+s10+$0x0], $0xffff;
	v39 =	vadd.s32 v43, v39;
	v44 =	vadd.s32 v15, v35;
	v41 =	vadd.s32 v24, v49;
	v53 =	vpop (erf)  }
0x1c0: {  	v57 =	vmul.f32 v29, v23;
	v58 =	vmul.f32 v53, v28;
	v28 =	vld.idx.msk [tilespmem:v62+s10+$0x0], $0xffff;
	v62 =	vmax.f32 v59, $1.000000000e-30  }
0x1c1: {  	v33 =	vld.idx.msk [tilespmem:v34+s10+$0x0], $0xffff;
	v23 =	vadd.f32 v40, v63;
	v40 =	vadd.s32 v43, v47;
	(erf) = vrcp.f32 v62  }
0x1c2: {  	v34 =	vld.idx.msk [tilespmem:v31+s10+$0x0], $0xffff;
	v27 =	vadd.s32 v26, v45;
	v26 =	vadd.s32 v26, v32;
	v63 =	vadd.f32 v22, v21  }
0x1c3: {  	s13 =	simm.s32 $0x1590;
	v32 =	vadd.s32 v18, v35;
	v29 =	vadd.s32 v17, v35;
	v35 =	vld.idx.msk [tilespmem:v55+s10+$0x0], $0xffff;
	v60 =	vmul.f32 v58, v57  }
0x1c4: {  	s14 =	simm.s32 $0x15B0;
	[tilespmem:s13+$0xFFFFFFF0] =	vst v50;
	v31 =	vld.idx.msk [tilespmem:v41+s10+$0x0], $0xffff;
	v41 =	vadd.f32 v42, v63  }
0x1c5: {  	s15 =	simm.s32 $0x4;
	s16 =	simm.s32 $0x70;
	v37 =	vadd.s32 v24, v56;
	v38 =	vld.idx.msk [tilespmem:v44+s2+$0x0], $0xffff;
	[tilespmem:s14+$0xFFFFFFF0] =	vst v60  }
.LBB2_4:
0x1c6: {  	s17 =	sadd.s32 $0xFFFFFFF0, s16;
	v42 =	vmov s16;
	v40 =	vld.idx.msk [tilespmem:v40+s10+$0x0], $0xffff;
	v33 =	vadd.f32 v33, v41  }
0x1c7: {  	s15 =	sadd.s32 $0x2, s15;
	v41 =	vmov s17;
	v42 =	vmul.u32 $0x9, v42;
	v36 =	vld.idx.msk [tilespmem:v36+s10+$0x0], $0xffff  }
0x1c8: {  	p0 =	slt.u32 s15, $0x1E;
	v41 =	vmul.u32 $0x9, v41;
	v39 =	vld.idx.msk [tilespmem:v39+s10+$0x0], $0xffff;
	v33 =	vadd.f32 v34, v33;
	v34 =	vpop (erf)  }
0x1c9: {  	v43 =	vadd.f32 v31, v28;
	v42 =	vbroadcast v42, $0x0;
	v30 =	vld.idx.msk [tilespmem:v30+s2+$0x0], $0xffff;
	v34 =	vmul.f32 v34, v10;
	v10 =	vmovc v20  }
0x1ca: {  	v41 =	vbroadcast v41, $0x0;
	v33 =	vadd.f32 v35, v33;
	v35 =	vld.idx.msk [tilespmem:v37+s10+$0x0], $0xffff;
	v20 =	vpop (erf)  }
0x1cb: {  	v37 =	vadd.s32 v24, v38;
	v29 =	vld.idx.msk [tilespmem:v29+s2+$0x0], $0xffff;
	v38 =	vmul.f32 v20, v13;
	v20 =	vmovc v28;
	v13 =	vmov v19  }
0x1cc: {  	v19 =	vmov v31;
	v28 =	vadd.s32 v8, v41;
	v33 =	vadd.f32 v40, v33;
	v32 =	vld.idx.msk [tilespmem:v32+s2+$0x0], $0xffff  }
0x1cd: {  	v31 =	vadd.s32 v9, v41;
	v40 =	vadd.s32 v8, v42;
	v44 =	vld.idx.msk [tilespmem:v25+s10+$0x0], $0xffff  }
0x1ce: {  	v46 =	vadd.s32 v9, v42;
	v45 =	vadd.s32 v11, v41;
	v25 =	vadd.f32 v39, v33;
	v33 =	vld.idx.msk [tilespmem:v27+s10+$0x0], $0xffff  }
0x1cf: {  	v39 =	vadd.s32 v11, v42;
	v27 =	vadd.f32 v36, v43;
	v36 =	vld.idx.msk [tilespmem:v26+s10+$0x0], $0xffff  }
0x1d0: {  	v43 =	vadd.s32 v12, v42;
	v26 =	vadd.s32 v12, v41;
	v47 =	vsub.f32 v25, v21;
	v37 =	vld.idx.msk [tilespmem:v37+s10+$0x0], $0xffff  }
0x1d1: {  	v48 =	vmax.f32 v25, $1.000000000e-30;
	v25 =	vadd.s32 v24, v30;
	v28 =	vld.idx.msk [tilespmem:v28+s2+$0x0], $0xffff  }
0x1d2: {  	v49 =	vadd.s32 v14, v41;
	v31 =	vld.idx.msk [tilespmem:v31+s2+$0x0], $0xffff;
	v30 =	vmax.f32 v47, $1.000000000e-30;
	(erf) = vrcp.f32 v48  }
0x1d3: {  	v47 =	vadd.s32 v14, v42;
	v45 =	vld.idx.msk [tilespmem:v45+s2+$0x0], $0xffff;
	(erf) = vrcp.f32 v30  }
0x1d4: {  	v50 =	vadd.s32 v15, v42;
	v35 =	vadd.f32 v35, v27;
	v48 =	vadd.s32 v15, v41;
	v40 =	vld.idx.msk [tilespmem:v40+s2+$0x0], $0xffff  }
0x1d5: {  	v27 =	vadd.s32 v24, v29;
	v51 =	vld.idx.msk [tilespmem:v26+s2+$0x0], $0xffff;
	v26 =	vadd.s32 v24, v32  }
0x1d6: {  	v52 =	vadd.s32 v16, v41;
	v30 =	vadd.s32 v16, v42;
	v46 =	vld.idx.msk [tilespmem:v46+s2+$0x0], $0xffff  }
0x1d7: {  	v29 =	vadd.s32 v17, v42;
	v53 =	vshll.u32 v28, $0x5;
	v28 =	vld.idx.msk [tilespmem:v49+s2+$0x0], $0xffff;
	v49 =	vadd.s32 v17, v41  }
0x1d8: {  	v44 =	vadd.f32 v44, v23;
	v23 =	vadd.f32 v37, v35;
	v31 =	vadd.s32 v31, v53;
	v39 =	vld.idx.msk [tilespmem:v39+s2+$0x0], $0xffff  }
0x1d9: {  	v34 =	vmul.f32 v38, v34;
	v35 =	vadd.s32 v53, v45;
	v37 =	vld.idx.msk [tilespmem:v48+s2+$0x0], $0xffff  }
0x1da: {  	v38 =	vadd.s32 v18, v41;
	v32 =	vadd.s32 v18, v42;
	v24 =	vshll.u32 v40, $0x5;
	v40 =	vld.idx.msk [tilespmem:v43+s2+$0x0], $0xffff  }
0x1db: {  	v33 =	vadd.f32 v33, v44;
	v41 =	vadd.s32 v53, v51;
	v42 =	vld.idx.msk [tilespmem:v52+s2+$0x0], $0xffff;
	v43 =	vpop (erf);
	[tilespmem:s13+$0x0] =	vst v34;
	s13 =	smov.u32 s14  }
0x1dc: {  	v44 =	vadd.s32 v46, v24;
	v34 =	vld.idx.msk [tilespmem:v49+s2+$0x0], $0xffff;
	v45 =	vpop (erf)  }
0x1dd: {  	v28 =	vadd.s32 v53, v28;
	v43 =	vmul.f32 v43, v21;
	v21 =	vld.idx.msk [tilespmem:v31+s10+$0x0], $0xffff;
	v31 =	vmul.f32 v45, v22  }
0x1de: {  	v33 =	vadd.f32 v36, v33;
	v22 =	vld.idx.msk [tilespmem:v35+s10+$0x0], $0xffff;
	v35 =	vadd.s32 v24, v39  }
0x1df: {  	v37 =	vadd.s32 v53, v37;
	v38 =	vld.idx.msk [tilespmem:v38+s2+$0x0], $0xffff;
	v31 =	vmul.f32 v31, v43  }
0x1e0: {  	s14 =	sadd.s32 $0x20, s14;
	v39 =	vmax.f32 v33, $1.000000000e-30;
	v36 =	vadd.s32 v24, v40;
	v40 =	vsub.f32 v33, v10;
	v41 =	vld.idx.msk [tilespmem:v41+s10+$0x0], $0xffff  }
0x1e1: {  	v42 =	vadd.s32 v53, v42;
	v43 =	vld.idx.msk [tilespmem:v47+s2+$0x0], $0xffff;
	[tilespmem:s14+$0xFFFFFFF0] =	vst v31;
	(erf) = vrcp.f32 v39  }
0x1e2: {  	v31 =	vmax.f32 v40, $1.000000000e-30;
	v33 =	vld.idx.msk [tilespmem:v28+s10+$0x0], $0xffff  }
.Ltmp1:
0x1e3: {  	v40 =	vadd.s32 v53, v34;
	v28 =	vld.idx.msk [tilespmem:v44+s10+$0x0], $0xffff;
	(erf) = vrcp.f32 v31;
	(pc) =	sbr.rel @p0 .LBB2_4-.Ltmp1, $4  }
0x1e4: {  	v34 =	vld.idx.msk [tilespmem:v37+s10+$0x0], $0xffff;
	v37 =	vadd.f32 v22, v21  }
0x1e5: {  	v39 =	vadd.s32 v53, v38;
	v31 =	vld.idx.msk [tilespmem:v35+s10+$0x0], $0xffff  }
0x1e6: {  	v35 =	vld.idx.msk [tilespmem:v42+s10+$0x0], $0xffff;
	v41 =	vadd.f32 v41, v37  }
0x1e7: {  	s16 =	sadd.s32 $0x20, s16;
	v37 =	vadd.s32 v24, v43;
	v38 =	vld.idx.msk [tilespmem:v50+s2+$0x0], $0xffff  }
0x1e8: {  	_ =	sdelay $0x3  }
0x1e9: {  	v8 =	vld.idx.msk [tilespmem:v30+s2+$0x0], $0xffff  }
0x1ea: {  	v9 =	vld.idx.msk [tilespmem:v40+s10+$0x0], $0xffff  }
0x1eb: {  	v11 =	vld.idx.msk [tilespmem:v29+s2+$0x0], $0xffff  }
0x1ec: {  	v12 =	vld.idx.msk [tilespmem:v36+s10+$0x0], $0xffff;
	v14 =	vadd.s32 v24, v38  }
0x1ed: {  	v15 =	vld.idx.msk [tilespmem:v32+s2+$0x0], $0xffff  }
0x1ee: {  	v16 =	vld.idx.msk [tilespmem:v39+s10+$0x0], $0xffff;
	v8 =	vadd.s32 v24, v8  }
0x1ef: {  	v17 =	vadd.f32 v33, v41;
	v18 =	vld.idx.msk [tilespmem:v37+s10+$0x0], $0xffff  }
0x1f0: {  	v25 =	vld.idx.msk [tilespmem:v25+s10+$0x0], $0xffff;
	v46 =	vadd.f32 v31, v28;
	v11 =	vadd.s32 v24, v11  }
0x1f1: {  	v17 =	vadd.f32 v34, v17;
	v14 =	vld.idx.msk [tilespmem:v14+s10+$0x0], $0xffff  }
0x1f2: {  	v27 =	vld.idx.msk [tilespmem:v27+s10+$0x0], $0xffff;
	v12 =	vadd.f32 v12, v46;
	v15 =	vadd.s32 v24, v15  }
0x1f3: {  	v17 =	vadd.f32 v35, v17;
	v8 =	vld.idx.msk [tilespmem:v8+s10+$0x0], $0xffff  }
0x1f4: {  	v47 =	vld.idx.msk [tilespmem:v26+s10+$0x0], $0xffff;
	v12 =	vadd.f32 v18, v12  }
0x1f5: {  	v9 =	vadd.f32 v9, v17;
	v11 =	vld.idx.msk [tilespmem:v11+s10+$0x0], $0xffff  }
0x1f6: {  	v48 =	vadd.f32 v25, v23;
	v12 =	vadd.f32 v14, v12  }
0x1f7: {  	v9 =	vadd.f32 v16, v9;
	v15 =	vld.idx.msk [tilespmem:v15+s10+$0x0], $0xffff  }
0x1f8: {  	v14 =	vadd.f32 v27, v48;
	v8 =	vadd.f32 v8, v12  }
0x1f9: {  	v49 =	vsub.f32 v9, v21  }
0x1fa: {  	v9 =	vmax.f32 v9, $1.000000000e-30;
	v14 =	vadd.f32 v47, v14;
	v8 =	vadd.f32 v11, v8  }
0x1fb: {  	(erf) = vrcp.f32 v9  }
0x1fc: {  	v50 =	vmax.f32 v49, $1.000000000e-30;
	v51 =	vsub.f32 v14, v20;
	v8 =	vadd.f32 v15, v8  }
0x1fd: {  	(erf) = vrcp.f32 v50;
	v52 =	vmax.f32 v14, $1.000000000e-30  }
0x1fe: {  	(erf) = vrcp.f32 v52;
	v9 =	vmax.f32 v51, $1.000000000e-30;
	v53 =	vsub.f32 v8, v28  }
0x1ff: {  	(erf) = vrcp.f32 v9;
	v8 =	vmax.f32 v8, $1.000000000e-30  }
0x200: {  	(erf) = vrcp.f32 v8;
	v8 =	vmax.f32 v53, $1.000000000e-30  }
0x201: {  	(erf) = vrcp.f32 v8;
	_ =	sdelay $0x1  }
0x202: {  	v8 =	vpop (erf)  }
0x203: {  	v54 =	vpop (erf)  }
0x204: {  	v55 =	vpop (erf)  }
0x205: {  	v56 =	vpop (erf)  }
0x206: {  	v8 =	vmul.f32 v8, v10;
	v9 =	vmul.f32 v54, v13;
	v57 =	vpop (erf)  }
0x207: {  	v11 =	vmul.f32 v55, v21;
	v12 =	vmul.f32 v56, v22;
	v58 =	vpop (erf)  }
0x208: {  	v8 =	vmul.f32 v9, v8;
	v10 =	vmul.f32 v57, v20;
	v60 =	vpop (erf)  }
0x209: {  	v59 =	vmul.f32 v12, v11;
	v61 =	vmul.f32 v58, v19;
	v62 =	vpop (erf)  }
0x20a: {  	v11 =	vmul.f32 v60, v28;
	v13 =	vmul.f32 v62, v31  }
0x20b: {  	s31 =	sadd.s32 $0x20, s14;
	[tilespmem:s13+$0x0] =	vst v8;
	v8 =	vmul.f32 v61, v10  }
0x20c: {  	s12 =	sadd.s32 $0x1, s12;
	[tilespmem:s31+$0xFFFFFFF0] =	vst v59;
	v63 =	vmul.f32 v13, v11  }
0x20d: {  	p0 =	sne.s32 s12, s6;
	[tilespmem:s14+$0x0] =	vst v8  }
.Ltmp2:
0x20e: {  	[tilespmem:s31+$0x0] =	vst v63;
	(pc) =	sbr.rel @p0 .LBB2_1-.Ltmp2, $4  }
0x20f: {  	[hbm4b:s5+s2] =	stream.linear.scatter [tilespmem:s11], [sflag:$0x2], $0x200, $0x38;
	[tilespmem:$0x1780] =	vst v63  }
0x210: {  	_ =	swait.ge [sflag:s8], $0x200  }
0x211: {  	[sflag:s8] =	ssyncset.done $0x0  }
0x212: {  	[sflag:s8] =	ssyncadd.s32 $0xFFFFFE00  }
0x213: {  	_ =	sfence.sel $0x180000  }
0x214: {  	[bflag:$0x0] =	sbarrier.arrive $0xFFFF  }
0x215: {  	p0 =	sne.s32 s0, $0x0;
	_ =	strace $0x90000047  }
0x216: {  	s0 =	sadd.s32 @!p0 $0x100000, s1;
	[bflag:$0x2] =	sbarrier.arrive $0xFFFF  }
0x217: {  	[sflag:s0] =	ssyncadd.tile.s32 @!p0 $0x1;
	_ =	shalt  }
.Lfunc_end2:
_tile_overlayer_lowered:
.L_overlay_start_2:
0x218: {  	(tag) =	ssettag $0x2  }
0x219: {  	s0 =	rddreg [dreg:$0x0];
	s2 =	stileid.u32  }
0x21a: {  	s1 =	rddreg [dreg:$0x1];
	p0 =	sne.s32 s2, $0x0  }
0x21b: {  	s3 =	rddreg [dreg:$0x2];
	[bflag:$0x3] =	sbarrier.arrive $0xFFFF;
	s2 =	simm.s32 @!p0 $0x1C02  }
0x21c: {  	[timem:s3], [sflag:s2] =	dma.local @!p0 [hbm:s0], s1  }
0x21d: {  	s0 =	simm.s32 @!p0 $0x2  }
0x21e: {  	_ =	swait.ge @!p0 [sflag:s0], s1  }
0x21f: {  	s1 =	ssub.s32 @!p0 $0x0, s1;
	[sflag:s0] =	ssyncset.done @!p0 $0x0  }
0x220: {  	[sflag:s0] =	ssyncadd.s32 @!p0 s1  }
0x221: {  	[bflag:$0x3] =	sbarrier.arrive $0xFFFF  }
0x222: {  	_ =	shalt  }

</sc_bundles>
